<compile_context>
chip_gen: v7x
topology: tpu7x:2x2x1
jax: 0.10.2.dev20260603
libtpu: 0.0.44.dev20260713+nightly
codegen_flags: <defaults>
</compile_context>

<pallas_src>
import jax
import jax.numpy as jnp
from jax import lax
from jax.experimental import pallas as pl
from jax.experimental.pallas import tpu as pltpu
from jax.experimental.pallas import tpu_sc as plsc

B = 4096
L = 50
D = 128

_info = plsc.get_sparse_core_info()
NC, NS = _info.num_cores, _info.num_subcores
NW = NC * NS
N = B * L
PER_W = N // NW
CHUNK = 128
NCHUNK = PER_W // CHUNK

NBUF = 5
NGROUP = NCHUNK // NBUF


def _gather_body(idx_hbm, table_hbm, out_hbm, idx_v, rows_v, gsems, wsems):
    wid = lax.axis_index("s") * NC + lax.axis_index("c")
    base = wid * PER_W
    pltpu.sync_copy(idx_hbm.at[wid], idx_v)

    def gather_desc(j, b):
        return pltpu.make_async_copy(
            table_hbm.at[idx_v.at[j]], rows_v.at[b], gsems.at[b]
        )

    def write_desc(j, b):
        return pltpu.make_async_copy(
            rows_v.at[b], out_hbm.at[pl.ds(base + j * CHUNK, CHUNK)], wsems.at[b]
        )

    LA = NBUF - 2

    for b in range(LA):
        gather_desc(b, b).start()
    for b in range(NBUF):
        gather_desc(b, b).wait()
        write_desc(b, b).start()
        if b >= NBUF - LA:
            write_desc(b - (NBUF - LA), (b - (NBUF - LA)) % NBUF).wait()
        gather_desc(b + LA, (b + LA) % NBUF).start()

    def group(g, carry):
        for b in range(NBUF):
            j = g * NBUF + b
            gather_desc(j, b).wait()
            write_desc(j, b).start()
            write_desc(j - (NBUF - LA), (b - (NBUF - LA)) % NBUF).wait()

            @pl.when(j + LA < NCHUNK)
            def _():
                gather_desc(j + LA, (b + LA) % NBUF).start()

        return carry

    lax.fori_loop(1, NGROUP, group, 0)

    for j in range(NCHUNK - (NBUF - LA), NCHUNK):
        write_desc(j, j % NBUF).wait()


@jax.jit
def _gather(idx, table):
    mesh = plsc.VectorSubcoreMesh(core_axis_name="c", subcore_axis_name="s")
    return pl.kernel(
        _gather_body,
        out_type=jax.ShapeDtypeStruct((N, D), jnp.float32),
        mesh=mesh,
        scratch_types=[
            pltpu.VMEM((NCHUNK, CHUNK), jnp.int32),
            pltpu.VMEM((NBUF, CHUNK, D), jnp.float32),
            pltpu.SemaphoreType.DMA((NBUF,)),
            pltpu.SemaphoreType.DMA((NBUF,)),
        ],
    )(idx, table)


def kernel(input_ids, table):
    idx = input_ids.astype(jnp.int32).T.reshape(NW, NCHUNK, CHUNK)
    out = _gather(idx, table)
    return out.reshape(L, B, D).transpose(1, 0, 2)

# --- scband reference (transcript-rebuilt; emitter-appended) ---
"""Pipeline reference for scband-bpeembedding-5342939316679 (READ-ONLY COPY).

The authoritative reference and input builder live on the scoring server;
editing this copy changes nothing except your own understanding.
"""

import jax, jax.numpy as jnp
import numpy as np

VOCAB = 100000
D = 128
B = 4096
L = 50

def setup_inputs(seed: int = 0) -> dict:
    key = jax.random.key(seed)
    k1, k2 = jax.random.split(key)
    input_ids = jax.random.randint(k1, (B, L), 0, VOCAB, dtype=jnp.int64)
    table = jax.random.normal(k2, (VOCAB, D), dtype=jnp.float32)
    return {"input_ids": input_ids, "table": table}

def reference(input_ids, table):
    # nn.Embedding lookup: gather rows of the table by index
    embeddings = jnp.take(table, input_ids, axis=0)
    return embeddings

if __name__ == "__main__":
    import jax
    _d = setup_inputs()
    print(jax.jit(kernel)(*tuple(_d.values())))

</pallas_src>

<mosaic_0001>
#map = affine_map<(d0, d1) -> (0, 0, 0)>
#map1 = affine_map<(d0, d1) -> (0, 0)>
module attributes {stable_mosaic.version = 14 : i64} {
  func.func @_gather_body(%arg0: i32, %arg1: i32, %arg2: memref<32x50x128xi32, #tpu.memory_space<hbm>>, %arg3: memref<100000x128xf32, #tpu.memory_space<hbm>>, %arg4: memref<204800x128xf32, #tpu.memory_space<hbm>>, %arg5: memref<50x128xi32, #tpu.memory_space<vmem>>, %arg6: memref<5x128x128xf32, #tpu.memory_space<vmem>>, %arg7: memref<5x!tpu.dma_semaphore, #tpu.memory_space<semaphore_mem>>, %arg8: memref<5x!tpu.dma_semaphore, #tpu.memory_space<semaphore_mem>>) attributes {dimension_semantics = [#tpu.dimension_semantics<core_parallel>, #tpu.dimension_semantics<subcore_parallel>], iteration_bounds = array<i64: 2, 16>, scalar_prefetch = 0 : i64, scratch_operands = 4 : i64, tpu.core_type = #tpu.core_type<sc_vector_subcore>, window_params = [{transform_indices = #map}, {transform_indices = #map1}, {transform_indices = #map1}]} {
    %mul3A = arith.constant 2 : i32
    %mul3A_0 = arith.muli %arg1, %mul3A : i32
    %add3A = arith.addi %mul3A_0, %arg0 : i32
    %mul3A_1 = arith.constant 6400 : i32
    %mul3A_2 = arith.muli %add3A, %mul3A_1 : i32
    "tpu.region"() ({
      %run_scoped3A = tpu.sem_alloc : memref<!tpu.dma_semaphore, #tpu.memory_space<semaphore_mem>>
      %dma_start3A_381 = arith.constant 0 : i32
      %dma_start3A_382 = arith.constant 0 : i32
      %dma_start3A_383 = tpu.memref_slice %arg2[%add3A, %dma_start3A_381, %dma_start3A_382] : memref<32x50x128xi32, #tpu.memory_space<hbm>> -> memref<1x50x128xi32, #tpu.memory_space<hbm>>
      %dma_start3A_384 = tpu.memref_squeeze %dma_start3A_383 : memref<1x50x128xi32, #tpu.memory_space<hbm>> -> memref<50x128xi32, #tpu.memory_space<hbm>>
      %dma_start3A_385 = arith.constant 0 : i32
      %dma_start3A_386 = arith.constant 0 : i32
      %dma_start3A_387 = tpu.memref_slice %arg2[%add3A, %dma_start3A_385, %dma_start3A_386] : memref<32x50x128xi32, #tpu.memory_space<hbm>> -> memref<1x50x128xi32, #tpu.memory_space<hbm>>
      %dma_start3A_388 = tpu.memref_squeeze %dma_start3A_387 : memref<1x50x128xi32, #tpu.memory_space<hbm>> -> memref<50x128xi32, #tpu.memory_space<hbm>>
      tpu.enqueue_dma source(%dma_start3A_388 : memref<50x128xi32, #tpu.memory_space<hbm>>) target(%arg5 : memref<50x128xi32, #tpu.memory_space<vmem>>) target_semaphore(%run_scoped3A : memref<!tpu.dma_semaphore, #tpu.memory_space<semaphore_mem>>)
      %dma_wait3A_389 = arith.constant 0 : i32
      %dma_wait3A_390 = arith.constant 0 : i32
      %dma_wait3A_391 = tpu.memref_slice %arg2[%add3A, %dma_wait3A_389, %dma_wait3A_390] : memref<32x50x128xi32, #tpu.memory_space<hbm>> -> memref<1x50x128xi32, #tpu.memory_space<hbm>>
      %dma_wait3A_392 = tpu.memref_squeeze %dma_wait3A_391 : memref<1x50x128xi32, #tpu.memory_space<hbm>> -> memref<50x128xi32, #tpu.memory_space<hbm>>
      %dma_wait3A_393 = arith.constant 0 : i32
      %dma_wait3A_394 = arith.constant 0 : i32
      %dma_wait3A_395 = tpu.memref_slice %arg2[%add3A, %dma_wait3A_393, %dma_wait3A_394] : memref<32x50x128xi32, #tpu.memory_space<hbm>> -> memref<1x50x128xi32, #tpu.memory_space<hbm>>
      %dma_wait3A_396 = tpu.memref_squeeze %dma_wait3A_395 : memref<1x50x128xi32, #tpu.memory_space<hbm>> -> memref<50x128xi32, #tpu.memory_space<hbm>>
      tpu.wait_dma2 semaphore(%run_scoped3A : memref<!tpu.dma_semaphore, #tpu.memory_space<semaphore_mem>>) src(%dma_wait3A_396 : memref<50x128xi32, #tpu.memory_space<hbm>>) dst(%arg5 : memref<50x128xi32, #tpu.memory_space<vmem>>)
      tpu.yield
    }) : () -> ()
    %dma_start3A = arith.constant 0 : i32
    %dma_start3A_3 = arith.constant 0 : i32
    %dma_start3A_4 = arith.constant 0 : i32
    %dma_start3A_5 = arith.constant 0 : i32
    %dma_start3A_6 = arith.constant 0 : i32
    %dma_start3A_7 = tpu.memref_slice %arg6[%dma_start3A_3, %dma_start3A_5, %dma_start3A_6] : memref<5x128x128xf32, #tpu.memory_space<vmem>> -> memref<1x128x128xf32, #tpu.memory_space<vmem>>
    %dma_start3A_8 = tpu.memref_squeeze %dma_start3A_7 : memref<1x128x128xf32, #tpu.memory_space<vmem>> -> memref<128x128xf32, #tpu.memory_space<vmem>>
    %dma_start3A_9 = arith.constant 0 : i32
    %dma_start3A_10 = tpu.memref_slice %arg5[%dma_start3A, %dma_start3A_9] : memref<50x128xi32, #tpu.memory_space<vmem>> -> memref<1x128xi32, #tpu.memory_space<vmem>>
    %dma_start3A_11 = tpu.memref_squeeze %dma_start3A_10 : memref<1x128xi32, #tpu.memory_space<vmem>> -> memref<128xi32, #tpu.memory_space<vmem>>
    %dma_start3A_12 = arith.constant 0 : i32
    %dma_start3A_13 = arith.constant 0 : i32
    %dma_start3A_14 = tpu.memref_slice %arg3[%dma_start3A_12, %dma_start3A_13] : memref<100000x128xf32, #tpu.memory_space<hbm>> -> memref<100000x128xf32, #tpu.memory_space<hbm>>
    %dma_start3A_15 = tpu.memref_slice %arg7[%dma_start3A_4] : memref<5x!tpu.dma_semaphore, #tpu.memory_space<semaphore_mem>> -> memref<1x!tpu.dma_semaphore, #tpu.memory_space<semaphore_mem>>
    %dma_start3A_16 = tpu.memref_squeeze %dma_start3A_15 : memref<1x!tpu.dma_semaphore, #tpu.memory_space<semaphore_mem>> -> memref<!tpu.dma_semaphore, #tpu.memory_space<semaphore_mem>>
    tpu.enqueue_indirect_dma source(%dma_start3A_14 : memref<100000x128xf32, #tpu.memory_space<hbm>>) target(%dma_start3A_8 : memref<128x128xf32, #tpu.memory_space<vmem>>) offsets(%dma_start3A_11 : memref<128xi32, #tpu.memory_space<vmem>>) semaphore(%dma_start3A_16 : memref<!tpu.dma_semaphore, #tpu.memory_space<semaphore_mem>>)
    %dma_start3A_17 = arith.constant 1 : i32
    %dma_start3A_18 = arith.constant 1 : i32
    %dma_start3A_19 = arith.constant 1 : i32
    %dma_start3A_20 = arith.constant 0 : i32
    %dma_start3A_21 = arith.constant 0 : i32
    %dma_start3A_22 = tpu.memref_slice %arg6[%dma_start3A_18, %dma_start3A_20, %dma_start3A_21] : memref<5x128x128xf32, #tpu.memory_space<vmem>> -> memref<1x128x128xf32, #tpu.memory_space<vmem>>
    %dma_start3A_23 = tpu.memref_squeeze %dma_start3A_22 : memref<1x128x128xf32, #tpu.memory_space<vmem>> -> memref<128x128xf32, #tpu.memory_space<vmem>>
    %dma_start3A_24 = arith.constant 0 : i32
    %dma_start3A_25 = tpu.memref_slice %arg5[%dma_start3A_17, %dma_start3A_24] : memref<50x128xi32, #tpu.memory_space<vmem>> -> memref<1x128xi32, #tpu.memory_space<vmem>>
    %dma_start3A_26 = tpu.memref_squeeze %dma_start3A_25 : memref<1x128xi32, #tpu.memory_space<vmem>> -> memref<128xi32, #tpu.memory_space<vmem>>
    %dma_start3A_27 = arith.constant 0 : i32
    %dma_start3A_28 = arith.constant 0 : i32
    %dma_start3A_29 = tpu.memref_slice %arg3[%dma_start3A_27, %dma_start3A_28] : memref<100000x128xf32, #tpu.memory_space<hbm>> -> memref<100000x128xf32, #tpu.memory_space<hbm>>
    %dma_start3A_30 = tpu.memref_slice %arg7[%dma_start3A_19] : memref<5x!tpu.dma_semaphore, #tpu.memory_space<semaphore_mem>> -> memref<1x!tpu.dma_semaphore, #tpu.memory_space<semaphore_mem>>
    %dma_start3A_31 = tpu.memref_squeeze %dma_start3A_30 : memref<1x!tpu.dma_semaphore, #tpu.memory_space<semaphore_mem>> -> memref<!tpu.dma_semaphore, #tpu.memory_space<semaphore_mem>>
    tpu.enqueue_indirect_dma source(%dma_start3A_29 : memref<100000x128xf32, #tpu.memory_space<hbm>>) target(%dma_start3A_23 : memref<128x128xf32, #tpu.memory_space<vmem>>) offsets(%dma_start3A_26 : memref<128xi32, #tpu.memory_space<vmem>>) semaphore(%dma_start3A_31 : memref<!tpu.dma_semaphore, #tpu.memory_space<semaphore_mem>>)
    %dma_start3A_32 = arith.constant 2 : i32
    %dma_start3A_33 = arith.constant 2 : i32
    %dma_start3A_34 = arith.constant 2 : i32
    %dma_start3A_35 = arith.constant 0 : i32
    %dma_start3A_36 = arith.constant 0 : i32
    %dma_start3A_37 = tpu.memref_slice %arg6[%dma_start3A_33, %dma_start3A_35, %dma_start3A_36] : memref<5x128x128xf32, #tpu.memory_space<vmem>> -> memref<1x128x128xf32, #tpu.memory_space<vmem>>
    %dma_start3A_38 = tpu.memref_squeeze %dma_start3A_37 : memref<1x128x128xf32, #tpu.memory_space<vmem>> -> memref<128x128xf32, #tpu.memory_space<vmem>>
    %dma_start3A_39 = arith.constant 0 : i32
    %dma_start3A_40 = tpu.memref_slice %arg5[%dma_start3A_32, %dma_start3A_39] : memref<50x128xi32, #tpu.memory_space<vmem>> -> memref<1x128xi32, #tpu.memory_space<vmem>>
    %dma_start3A_41 = tpu.memref_squeeze %dma_start3A_40 : memref<1x128xi32, #tpu.memory_space<vmem>> -> memref<128xi32, #tpu.memory_space<vmem>>
    %dma_start3A_42 = arith.constant 0 : i32
    %dma_start3A_43 = arith.constant 0 : i32
    %dma_start3A_44 = tpu.memref_slice %arg3[%dma_start3A_42, %dma_start3A_43] : memref<100000x128xf32, #tpu.memory_space<hbm>> -> memref<100000x128xf32, #tpu.memory_space<hbm>>
    %dma_start3A_45 = tpu.memref_slice %arg7[%dma_start3A_34] : memref<5x!tpu.dma_semaphore, #tpu.memory_space<semaphore_mem>> -> memref<1x!tpu.dma_semaphore, #tpu.memory_space<semaphore_mem>>
    %dma_start3A_46 = tpu.memref_squeeze %dma_start3A_45 : memref<1x!tpu.dma_semaphore, #tpu.memory_space<semaphore_mem>> -> memref<!tpu.dma_semaphore, #tpu.memory_space<semaphore_mem>>
    tpu.enqueue_indirect_dma source(%dma_start3A_44 : memref<100000x128xf32, #tpu.memory_space<hbm>>) target(%dma_start3A_38 : memref<128x128xf32, #tpu.memory_space<vmem>>) offsets(%dma_start3A_41 : memref<128xi32, #tpu.memory_space<vmem>>) semaphore(%dma_start3A_46 : memref<!tpu.dma_semaphore, #tpu.memory_space<semaphore_mem>>)
    %dma_wait3A = arith.constant 0 : i32
    %dma_wait3A_47 = arith.constant 0 : i32
    %dma_wait3A_48 = arith.constant 0 : i32
    %dma_wait3A_49 = arith.constant 0 : i32
    %dma_wait3A_50 = arith.constant 0 : i32
    %dma_wait3A_51 = tpu.memref_slice %arg6[%dma_wait3A_47, %dma_wait3A_49, %dma_wait3A_50] : memref<5x128x128xf32, #tpu.memory_space<vmem>> -> memref<1x128x128xf32, #tpu.memory_space<vmem>>
    %dma_wait3A_52 = tpu.memref_squeeze %dma_wait3A_51 : memref<1x128x128xf32, #tpu.memory_space<vmem>> -> memref<128x128xf32, #tpu.memory_space<vmem>>
    %dma_wait3A_53 = arith.constant 0 : i32
    %dma_wait3A_54 = tpu.memref_slice %arg5[%dma_wait3A, %dma_wait3A_53] : memref<50x128xi32, #tpu.memory_space<vmem>> -> memref<1x128xi32, #tpu.memory_space<vmem>>
    %dma_wait3A_55 = tpu.memref_squeeze %dma_wait3A_54 : memref<1x128xi32, #tpu.memory_space<vmem>> -> memref<128xi32, #tpu.memory_space<vmem>>
    %dma_wait3A_56 = arith.constant 0 : i32
    %dma_wait3A_57 = arith.constant 0 : i32
    %dma_wait3A_58 = tpu.memref_slice %arg3[%dma_wait3A_56, %dma_wait3A_57] : memref<100000x128xf32, #tpu.memory_space<hbm>> -> memref<100000x128xf32, #tpu.memory_space<hbm>>
    %dma_wait3A_59 = tpu.memref_slice %arg7[%dma_wait3A_48] : memref<5x!tpu.dma_semaphore, #tpu.memory_space<semaphore_mem>> -> memref<1x!tpu.dma_semaphore, #tpu.memory_space<semaphore_mem>>
    %dma_wait3A_60 = tpu.memref_squeeze %dma_wait3A_59 : memref<1x!tpu.dma_semaphore, #tpu.memory_space<semaphore_mem>> -> memref<!tpu.dma_semaphore, #tpu.memory_space<semaphore_mem>>
    tpu.wait_indirect_dma semaphore(%dma_wait3A_60 : memref<!tpu.dma_semaphore, #tpu.memory_space<semaphore_mem>>) src(%dma_wait3A_58 : memref<100000x128xf32, #tpu.memory_space<hbm>>) dst(%dma_wait3A_52 : memref<128x128xf32, #tpu.memory_space<vmem>>)
    %add3A_61 = arith.constant 0 : i32
    %add3A_62 = arith.addi %mul3A_2, %add3A_61 : i32
    %dma_start3A_63 = arith.constant 0 : i32
    %dma_start3A_64 = arith.constant 0 : i32
    %dma_start3A_65 = arith.constant 0 : i32
    %dma_start3A_66 = arith.constant 0 : i32
    %dma_start3A_67 = tpu.memref_slice %arg6[%dma_start3A_63, %dma_start3A_65, %dma_start3A_66] : memref<5x128x128xf32, #tpu.memory_space<vmem>> -> memref<1x128x128xf32, #tpu.memory_space<vmem>>
    %dma_start3A_68 = tpu.memref_squeeze %dma_start3A_67 : memref<1x128x128xf32, #tpu.memory_space<vmem>> -> memref<128x128xf32, #tpu.memory_space<vmem>>
    %dma_start3A_69 = arith.constant 0 : i32
    %dma_start3A_70 = tpu.memref_slice %arg4[%add3A_62, %dma_start3A_69] : memref<204800x128xf32, #tpu.memory_space<hbm>> -> memref<128x128xf32, #tpu.memory_space<hbm>>
    %dma_start3A_71 = tpu.memref_slice %arg8[%dma_start3A_64] : memref<5x!tpu.dma_semaphore, #tpu.memory_space<semaphore_mem>> -> memref<1x!tpu.dma_semaphore, #tpu.memory_space<semaphore_mem>>
    %dma_start3A_72 = tpu.memref_squeeze %dma_start3A_71 : memref<1x!tpu.dma_semaphore, #tpu.memory_space<semaphore_mem>> -> memref<!tpu.dma_semaphore, #tpu.memory_space<semaphore_mem>>
    %dma_start3A_73 = arith.constant 0 : i32
    %dma_start3A_74 = tpu.memref_slice %arg4[%add3A_62, %dma_start3A_73] : memref<204800x128xf32, #tpu.memory_space<hbm>> -> memref<128x128xf32, #tpu.memory_space<hbm>>
    %dma_start3A_75 = arith.constant 0 : i32
    %dma_start3A_76 = arith.constant 0 : i32
    %dma_start3A_77 = tpu.memref_slice %arg6[%dma_start3A_63, %dma_start3A_75, %dma_start3A_76] : memref<5x128x128xf32, #tpu.memory_space<vmem>> -> memref<1x128x128xf32, #tpu.memory_space<vmem>>
    %dma_start3A_78 = tpu.memref_squeeze %dma_start3A_77 : memref<1x128x128xf32, #tpu.memory_space<vmem>> -> memref<128x128xf32, #tpu.memory_space<vmem>>
    tpu.enqueue_dma source(%dma_start3A_78 : memref<128x128xf32, #tpu.memory_space<vmem>>) target(%dma_start3A_74 : memref<128x128xf32, #tpu.memory_space<hbm>>) target_semaphore(%dma_start3A_72 : memref<!tpu.dma_semaphore, #tpu.memory_space<semaphore_mem>>)
    %dma_start3A_79 = arith.constant 3 : i32
    %dma_start3A_80 = arith.constant 3 : i32
    %dma_start3A_81 = arith.constant 3 : i32
    %dma_start3A_82 = arith.constant 0 : i32
    %dma_start3A_83 = arith.constant 0 : i32
    %dma_start3A_84 = tpu.memref_slice %arg6[%dma_start3A_80, %dma_start3A_82, %dma_start3A_83] : memref<5x128x128xf32, #tpu.memory_space<vmem>> -> memref<1x128x128xf32, #tpu.memory_space<vmem>>
    %dma_start3A_85 = tpu.memref_squeeze %dma_start3A_84 : memref<1x128x128xf32, #tpu.memory_space<vmem>> -> memref<128x128xf32, #tpu.memory_space<vmem>>
    %dma_start3A_86 = arith.constant 0 : i32
    %dma_start3A_87 = tpu.memref_slice %arg5[%dma_start3A_79, %dma_start3A_86] : memref<50x128xi32, #tpu.memory_space<vmem>> -> memref<1x128xi32, #tpu.memory_space<vmem>>
    %dma_start3A_88 = tpu.memref_squeeze %dma_start3A_87 : memref<1x128xi32, #tpu.memory_space<vmem>> -> memref<128xi32, #tpu.memory_space<vmem>>
    %dma_start3A_89 = arith.constant 0 : i32
    %dma_start3A_90 = arith.constant 0 : i32
    %dma_start3A_91 = tpu.memref_slice %arg3[%dma_start3A_89, %dma_start3A_90] : memref<100000x128xf32, #tpu.memory_space<hbm>> -> memref<100000x128xf32, #tpu.memory_space<hbm>>
    %dma_start3A_92 = tpu.memref_slice %arg7[%dma_start3A_81] : memref<5x!tpu.dma_semaphore, #tpu.memory_space<semaphore_mem>> -> memref<1x!tpu.dma_semaphore, #tpu.memory_space<semaphore_mem>>
    %dma_start3A_93 = tpu.memref_squeeze %dma_start3A_92 : memref<1x!tpu.dma_semaphore, #tpu.memory_space<semaphore_mem>> -> memref<!tpu.dma_semaphore, #tpu.memory_space<semaphore_mem>>
    tpu.enqueue_indirect_dma source(%dma_start3A_91 : memref<100000x128xf32, #tpu.memory_space<hbm>>) target(%dma_start3A_85 : memref<128x128xf32, #tpu.memory_space<vmem>>) offsets(%dma_start3A_88 : memref<128xi32, #tpu.memory_space<vmem>>) semaphore(%dma_start3A_93 : memref<!tpu.dma_semaphore, #tpu.memory_space<semaphore_mem>>)
    %dma_wait3A_94 = arith.constant 1 : i32
    %dma_wait3A_95 = arith.constant 1 : i32
    %dma_wait3A_96 = arith.constant 1 : i32
    %dma_wait3A_97 = arith.constant 0 : i32
    %dma_wait3A_98 = arith.constant 0 : i32
    %dma_wait3A_99 = tpu.memref_slice %arg6[%dma_wait3A_95, %dma_wait3A_97, %dma_wait3A_98] : memref<5x128x128xf32, #tpu.memory_space<vmem>> -> memref<1x128x128xf32, #tpu.memory_space<vmem>>
    %dma_wait3A_100 = tpu.memref_squeeze %dma_wait3A_99 : memref<1x128x128xf32, #tpu.memory_space<vmem>> -> memref<128x128xf32, #tpu.memory_space<vmem>>
    %dma_wait3A_101 = arith.constant 0 : i32
    %dma_wait3A_102 = tpu.memref_slice %arg5[%dma_wait3A_94, %dma_wait3A_101] : memref<50x128xi32, #tpu.memory_space<vmem>> -> memref<1x128xi32, #tpu.memory_space<vmem>>
    %dma_wait3A_103 = tpu.memref_squeeze %dma_wait3A_102 : memref<1x128xi32, #tpu.memory_space<vmem>> -> memref<128xi32, #tpu.memory_space<vmem>>
    %dma_wait3A_104 = arith.constant 0 : i32
    %dma_wait3A_105 = arith.constant 0 : i32
    %dma_wait3A_106 = tpu.memref_slice %arg3[%dma_wait3A_104, %dma_wait3A_105] : memref<100000x128xf32, #tpu.memory_space<hbm>> -> memref<100000x128xf32, #tpu.memory_space<hbm>>
    %dma_wait3A_107 = tpu.memref_slice %arg7[%dma_wait3A_96] : memref<5x!tpu.dma_semaphore, #tpu.memory_space<semaphore_mem>> -> memref<1x!tpu.dma_semaphore, #tpu.memory_space<semaphore_mem>>
    %dma_wait3A_108 = tpu.memref_squeeze %dma_wait3A_107 : memref<1x!tpu.dma_semaphore, #tpu.memory_space<semaphore_mem>> -> memref<!tpu.dma_semaphore, #tpu.memory_space<semaphore_mem>>
    tpu.wait_indirect_dma semaphore(%dma_wait3A_108 : memref<!tpu.dma_semaphore, #tpu.memory_space<semaphore_mem>>) src(%dma_wait3A_106 : memref<100000x128xf32, #tpu.memory_space<hbm>>) dst(%dma_wait3A_100 : memref<128x128xf32, #tpu.memory_space<vmem>>)
    %add3A_109 = arith.constant 128 : i32
    %add3A_110 = arith.addi %mul3A_2, %add3A_109 : i32
    %dma_start3A_111 = arith.constant 1 : i32
    %dma_start3A_112 = arith.constant 1 : i32
    %dma_start3A_113 = arith.constant 0 : i32
    %dma_start3A_114 = arith.constant 0 : i32
    %dma_start3A_115 = tpu.memref_slice %arg6[%dma_start3A_111, %dma_start3A_113, %dma_start3A_114] : memref<5x128x128xf32, #tpu.memory_space<vmem>> -> memref<1x128x128xf32, #tpu.memory_space<vmem>>
    %dma_start3A_116 = tpu.memref_squeeze %dma_start3A_115 : memref<1x128x128xf32, #tpu.memory_space<vmem>> -> memref<128x128xf32, #tpu.memory_space<vmem>>
    %dma_start3A_117 = arith.constant 0 : i32
    %dma_start3A_118 = tpu.memref_slice %arg4[%add3A_110, %dma_start3A_117] : memref<204800x128xf32, #tpu.memory_space<hbm>> -> memref<128x128xf32, #tpu.memory_space<hbm>>
    %dma_start3A_119 = tpu.memref_slice %arg8[%dma_start3A_112] : memref<5x!tpu.dma_semaphore, #tpu.memory_space<semaphore_mem>> -> memref<1x!tpu.dma_semaphore, #tpu.memory_space<semaphore_mem>>
    %dma_start3A_120 = tpu.memref_squeeze %dma_start3A_119 : memref<1x!tpu.dma_semaphore, #tpu.memory_space<semaphore_mem>> -> memref<!tpu.dma_semaphore, #tpu.memory_space<semaphore_mem>>
    %dma_start3A_121 = arith.constant 0 : i32
    %dma_start3A_122 = tpu.memref_slice %arg4[%add3A_110, %dma_start3A_121] : memref<204800x128xf32, #tpu.memory_space<hbm>> -> memref<128x128xf32, #tpu.memory_space<hbm>>
    %dma_start3A_123 = arith.constant 0 : i32
    %dma_start3A_124 = arith.constant 0 : i32
    %dma_start3A_125 = tpu.memref_slice %arg6[%dma_start3A_111, %dma_start3A_123, %dma_start3A_124] : memref<5x128x128xf32, #tpu.memory_space<vmem>> -> memref<1x128x128xf32, #tpu.memory_space<vmem>>
    %dma_start3A_126 = tpu.memref_squeeze %dma_start3A_125 : memref<1x128x128xf32, #tpu.memory_space<vmem>> -> memref<128x128xf32, #tpu.memory_space<vmem>>
    tpu.enqueue_dma source(%dma_start3A_126 : memref<128x128xf32, #tpu.memory_space<vmem>>) target(%dma_start3A_122 : memref<128x128xf32, #tpu.memory_space<hbm>>) target_semaphore(%dma_start3A_120 : memref<!tpu.dma_semaphore, #tpu.memory_space<semaphore_mem>>)
    %dma_start3A_127 = arith.constant 4 : i32
    %dma_start3A_128 = arith.constant 4 : i32
    %dma_start3A_129 = arith.constant 4 : i32
    %dma_start3A_130 = arith.constant 0 : i32
    %dma_start3A_131 = arith.constant 0 : i32
    %dma_start3A_132 = tpu.memref_slice %arg6[%dma_start3A_128, %dma_start3A_130, %dma_start3A_131] : memref<5x128x128xf32, #tpu.memory_space<vmem>> -> memref<1x128x128xf32, #tpu.memory_space<vmem>>
    %dma_start3A_133 = tpu.memref_squeeze %dma_start3A_132 : memref<1x128x128xf32, #tpu.memory_space<vmem>> -> memref<128x128xf32, #tpu.memory_space<vmem>>
    %dma_start3A_134 = arith.constant 0 : i32
    %dma_start3A_135 = tpu.memref_slice %arg5[%dma_start3A_127, %dma_start3A_134] : memref<50x128xi32, #tpu.memory_space<vmem>> -> memref<1x128xi32, #tpu.memory_space<vmem>>
    %dma_start3A_136 = tpu.memref_squeeze %dma_start3A_135 : memref<1x128xi32, #tpu.memory_space<vmem>> -> memref<128xi32, #tpu.memory_space<vmem>>
    %dma_start3A_137 = arith.constant 0 : i32
    %dma_start3A_138 = arith.constant 0 : i32
    %dma_start3A_139 = tpu.memref_slice %arg3[%dma_start3A_137, %dma_start3A_138] : memref<100000x128xf32, #tpu.memory_space<hbm>> -> memref<100000x128xf32, #tpu.memory_space<hbm>>
    %dma_start3A_140 = tpu.memref_slice %arg7[%dma_start3A_129] : memref<5x!tpu.dma_semaphore, #tpu.memory_space<semaphore_mem>> -> memref<1x!tpu.dma_semaphore, #tpu.memory_space<semaphore_mem>>
    %dma_start3A_141 = tpu.memref_squeeze %dma_start3A_140 : memref<1x!tpu.dma_semaphore, #tpu.memory_space<semaphore_mem>> -> memref<!tpu.dma_semaphore, #tpu.memory_space<semaphore_mem>>
    tpu.enqueue_indirect_dma source(%dma_start3A_139 : memref<100000x128xf32, #tpu.memory_space<hbm>>) target(%dma_start3A_133 : memref<128x128xf32, #tpu.memory_space<vmem>>) offsets(%dma_start3A_136 : memref<128xi32, #tpu.memory_space<vmem>>) semaphore(%dma_start3A_141 : memref<!tpu.dma_semaphore, #tpu.memory_space<semaphore_mem>>)
    %dma_wait3A_142 = arith.constant 2 : i32
    %dma_wait3A_143 = arith.constant 2 : i32
    %dma_wait3A_144 = arith.constant 2 : i32
    %dma_wait3A_145 = arith.constant 0 : i32
    %dma_wait3A_146 = arith.constant 0 : i32
    %dma_wait3A_147 = tpu.memref_slice %arg6[%dma_wait3A_143, %dma_wait3A_145, %dma_wait3A_146] : memref<5x128x128xf32, #tpu.memory_space<vmem>> -> memref<1x128x128xf32, #tpu.memory_space<vmem>>
    %dma_wait3A_148 = tpu.memref_squeeze %dma_wait3A_147 : memref<1x128x128xf32, #tpu.memory_space<vmem>> -> memref<128x128xf32, #tpu.memory_space<vmem>>
    %dma_wait3A_149 = arith.constant 0 : i32
    %dma_wait3A_150 = tpu.memref_slice %arg5[%dma_wait3A_142, %dma_wait3A_149] : memref<50x128xi32, #tpu.memory_space<vmem>> -> memref<1x128xi32, #tpu.memory_space<vmem>>
    %dma_wait3A_151 = tpu.memref_squeeze %dma_wait3A_150 : memref<1x128xi32, #tpu.memory_space<vmem>> -> memref<128xi32, #tpu.memory_space<vmem>>
    %dma_wait3A_152 = arith.constant 0 : i32
    %dma_wait3A_153 = arith.constant 0 : i32
    %dma_wait3A_154 = tpu.memref_slice %arg3[%dma_wait3A_152, %dma_wait3A_153] : memref<100000x128xf32, #tpu.memory_space<hbm>> -> memref<100000x128xf32, #tpu.memory_space<hbm>>
    %dma_wait3A_155 = tpu.memref_slice %arg7[%dma_wait3A_144] : memref<5x!tpu.dma_semaphore, #tpu.memory_space<semaphore_mem>> -> memref<1x!tpu.dma_semaphore, #tpu.memory_space<semaphore_mem>>
    %dma_wait3A_156 = tpu.memref_squeeze %dma_wait3A_155 : memref<1x!tpu.dma_semaphore, #tpu.memory_space<semaphore_mem>> -> memref<!tpu.dma_semaphore, #tpu.memory_space<semaphore_mem>>
    tpu.wait_indirect_dma semaphore(%dma_wait3A_156 : memref<!tpu.dma_semaphore, #tpu.memory_space<semaphore_mem>>) src(%dma_wait3A_154 : memref<100000x128xf32, #tpu.memory_space<hbm>>) dst(%dma_wait3A_148 : memref<128x128xf32, #tpu.memory_space<vmem>>)
    %add3A_157 = arith.constant 256 : i32
    %add3A_158 = arith.addi %mul3A_2, %add3A_157 : i32
    %dma_start3A_159 = arith.constant 2 : i32
    %dma_start3A_160 = arith.constant 2 : i32
    %dma_start3A_161 = arith.constant 0 : i32
    %dma_start3A_162 = arith.constant 0 : i32
    %dma_start3A_163 = tpu.memref_slice %arg6[%dma_start3A_159, %dma_start3A_161, %dma_start3A_162] : memref<5x128x128xf32, #tpu.memory_space<vmem>> -> memref<1x128x128xf32, #tpu.memory_space<vmem>>
    %dma_start3A_164 = tpu.memref_squeeze %dma_start3A_163 : memref<1x128x128xf32, #tpu.memory_space<vmem>> -> memref<128x128xf32, #tpu.memory_space<vmem>>
    %dma_start3A_165 = arith.constant 0 : i32
    %dma_start3A_166 = tpu.memref_slice %arg4[%add3A_158, %dma_start3A_165] : memref<204800x128xf32, #tpu.memory_space<hbm>> -> memref<128x128xf32, #tpu.memory_space<hbm>>
    %dma_start3A_167 = tpu.memref_slice %arg8[%dma_start3A_160] : memref<5x!tpu.dma_semaphore, #tpu.memory_space<semaphore_mem>> -> memref<1x!tpu.dma_semaphore, #tpu.memory_space<semaphore_mem>>
    %dma_start3A_168 = tpu.memref_squeeze %dma_start3A_167 : memref<1x!tpu.dma_semaphore, #tpu.memory_space<semaphore_mem>> -> memref<!tpu.dma_semaphore, #tpu.memory_space<semaphore_mem>>
    %dma_start3A_169 = arith.constant 0 : i32
    %dma_start3A_170 = tpu.memref_slice %arg4[%add3A_158, %dma_start3A_169] : memref<204800x128xf32, #tpu.memory_space<hbm>> -> memref<128x128xf32, #tpu.memory_space<hbm>>
    %dma_start3A_171 = arith.constant 0 : i32
    %dma_start3A_172 = arith.constant 0 : i32
    %dma_start3A_173 = tpu.memref_slice %arg6[%dma_start3A_159, %dma_start3A_171, %dma_start3A_172] : memref<5x128x128xf32, #tpu.memory_space<vmem>> -> memref<1x128x128xf32, #tpu.memory_space<vmem>>
    %dma_start3A_174 = tpu.memref_squeeze %dma_start3A_173 : memref<1x128x128xf32, #tpu.memory_space<vmem>> -> memref<128x128xf32, #tpu.memory_space<vmem>>
    tpu.enqueue_dma source(%dma_start3A_174 : memref<128x128xf32, #tpu.memory_space<vmem>>) target(%dma_start3A_170 : memref<128x128xf32, #tpu.memory_space<hbm>>) target_semaphore(%dma_start3A_168 : memref<!tpu.dma_semaphore, #tpu.memory_space<semaphore_mem>>)
    %add3A_175 = arith.constant 0 : i32
    %add3A_176 = arith.addi %mul3A_2, %add3A_175 : i32
    %dma_wait3A_177 = arith.constant 0 : i32
    %dma_wait3A_178 = arith.constant 0 : i32
    %dma_wait3A_179 = arith.constant 0 : i32
    %dma_wait3A_180 = arith.constant 0 : i32
    %dma_wait3A_181 = tpu.memref_slice %arg6[%dma_wait3A_177, %dma_wait3A_179, %dma_wait3A_180] : memref<5x128x128xf32, #tpu.memory_space<vmem>> -> memref<1x128x128xf32, #tpu.memory_space<vmem>>
    %dma_wait3A_182 = tpu.memref_squeeze %dma_wait3A_181 : memref<1x128x128xf32, #tpu.memory_space<vmem>> -> memref<128x128xf32, #tpu.memory_space<vmem>>
    %dma_wait3A_183 = arith.constant 0 : i32
    %dma_wait3A_184 = tpu.memref_slice %arg4[%add3A_176, %dma_wait3A_183] : memref<204800x128xf32, #tpu.memory_space<hbm>> -> memref<128x128xf32, #tpu.memory_space<hbm>>
    %dma_wait3A_185 = tpu.memref_slice %arg8[%dma_wait3A_178] : memref<5x!tpu.dma_semaphore, #tpu.memory_space<semaphore_mem>> -> memref<1x!tpu.dma_semaphore, #tpu.memory_space<semaphore_mem>>
    %dma_wait3A_186 = tpu.memref_squeeze %dma_wait3A_185 : memref<1x!tpu.dma_semaphore, #tpu.memory_space<semaphore_mem>> -> memref<!tpu.dma_semaphore, #tpu.memory_space<semaphore_mem>>
    %dma_wait3A_187 = arith.constant 0 : i32
    %dma_wait3A_188 = tpu.memref_slice %arg4[%add3A_176, %dma_wait3A_187] : memref<204800x128xf32, #tpu.memory_space<hbm>> -> memref<128x128xf32, #tpu.memory_space<hbm>>
    %dma_wait3A_189 = arith.constant 0 : i32
    %dma_wait3A_190 = arith.constant 0 : i32
    %dma_wait3A_191 = tpu.memref_slice %arg6[%dma_wait3A_177, %dma_wait3A_189, %dma_wait3A_190] : memref<5x128x128xf32, #tpu.memory_space<vmem>> -> memref<1x128x128xf32, #tpu.memory_space<vmem>>
    %dma_wait3A_192 = tpu.memref_squeeze %dma_wait3A_191 : memref<1x128x128xf32, #tpu.memory_space<vmem>> -> memref<128x128xf32, #tpu.memory_space<vmem>>
    tpu.wait_dma2 semaphore(%dma_wait3A_186 : memref<!tpu.dma_semaphore, #tpu.memory_space<semaphore_mem>>) src(%dma_wait3A_192 : memref<128x128xf32, #tpu.memory_space<vmem>>) dst(%dma_wait3A_188 : memref<128x128xf32, #tpu.memory_space<hbm>>)
    %dma_start3A_193 = arith.constant 5 : i32
    %dma_start3A_194 = arith.constant 0 : i32
    %dma_start3A_195 = arith.constant 0 : i32
    %dma_start3A_196 = arith.constant 0 : i32
    %dma_start3A_197 = arith.constant 0 : i32
    %dma_start3A_198 = tpu.memref_slice %arg6[%dma_start3A_194, %dma_start3A_196, %dma_start3A_197] : memref<5x128x128xf32, #tpu.memory_space<vmem>> -> memref<1x128x128xf32, #tpu.memory_space<vmem>>
    %dma_start3A_199 = tpu.memref_squeeze %dma_start3A_198 : memref<1x128x128xf32, #tpu.memory_space<vmem>> -> memref<128x128xf32, #tpu.memory_space<vmem>>
    %dma_start3A_200 = arith.constant 0 : i32
    %dma_start3A_201 = tpu.memref_slice %arg5[%dma_start3A_193, %dma_start3A_200] : memref<50x128xi32, #tpu.memory_space<vmem>> -> memref<1x128xi32, #tpu.memory_space<vmem>>
    %dma_start3A_202 = tpu.memref_squeeze %dma_start3A_201 : memref<1x128xi32, #tpu.memory_space<vmem>> -> memref<128xi32, #tpu.memory_space<vmem>>
    %dma_start3A_203 = arith.constant 0 : i32
    %dma_start3A_204 = arith.constant 0 : i32
    %dma_start3A_205 = tpu.memref_slice %arg3[%dma_start3A_203, %dma_start3A_204] : memref<100000x128xf32, #tpu.memory_space<hbm>> -> memref<100000x128xf32, #tpu.memory_space<hbm>>
    %dma_start3A_206 = tpu.memref_slice %arg7[%dma_start3A_195] : memref<5x!tpu.dma_semaphore, #tpu.memory_space<semaphore_mem>> -> memref<1x!tpu.dma_semaphore, #tpu.memory_space<semaphore_mem>>
    %dma_start3A_207 = tpu.memref_squeeze %dma_start3A_206 : memref<1x!tpu.dma_semaphore, #tpu.memory_space<semaphore_mem>> -> memref<!tpu.dma_semaphore, #tpu.memory_space<semaphore_mem>>
    tpu.enqueue_indirect_dma source(%dma_start3A_205 : memref<100000x128xf32, #tpu.memory_space<hbm>>) target(%dma_start3A_199 : memref<128x128xf32, #tpu.memory_space<vmem>>) offsets(%dma_start3A_202 : memref<128xi32, #tpu.memory_space<vmem>>) semaphore(%dma_start3A_207 : memref<!tpu.dma_semaphore, #tpu.memory_space<semaphore_mem>>)
    %dma_wait3A_208 = arith.constant 3 : i32
    %dma_wait3A_209 = arith.constant 3 : i32
    %dma_wait3A_210 = arith.constant 3 : i32
    %dma_wait3A_211 = arith.constant 0 : i32
    %dma_wait3A_212 = arith.constant 0 : i32
    %dma_wait3A_213 = tpu.memref_slice %arg6[%dma_wait3A_209, %dma_wait3A_211, %dma_wait3A_212] : memref<5x128x128xf32, #tpu.memory_space<vmem>> -> memref<1x128x128xf32, #tpu.memory_space<vmem>>
    %dma_wait3A_214 = tpu.memref_squeeze %dma_wait3A_213 : memref<1x128x128xf32, #tpu.memory_space<vmem>> -> memref<128x128xf32, #tpu.memory_space<vmem>>
    %dma_wait3A_215 = arith.constant 0 : i32
    %dma_wait3A_216 = tpu.memref_slice %arg5[%dma_wait3A_208, %dma_wait3A_215] : memref<50x128xi32, #tpu.memory_space<vmem>> -> memref<1x128xi32, #tpu.memory_space<vmem>>
    %dma_wait3A_217 = tpu.memref_squeeze %dma_wait3A_216 : memref<1x128xi32, #tpu.memory_space<vmem>> -> memref<128xi32, #tpu.memory_space<vmem>>
    %dma_wait3A_218 = arith.constant 0 : i32
    %dma_wait3A_219 = arith.constant 0 : i32
    %dma_wait3A_220 = tpu.memref_slice %arg3[%dma_wait3A_218, %dma_wait3A_219] : memref<100000x128xf32, #tpu.memory_space<hbm>> -> memref<100000x128xf32, #tpu.memory_space<hbm>>
    %dma_wait3A_221 = tpu.memref_slice %arg7[%dma_wait3A_210] : memref<5x!tpu.dma_semaphore, #tpu.memory_space<semaphore_mem>> -> memref<1x!tpu.dma_semaphore, #tpu.memory_space<semaphore_mem>>
    %dma_wait3A_222 = tpu.memref_squeeze %dma_wait3A_221 : memref<1x!tpu.dma_semaphore, #tpu.memory_space<semaphore_mem>> -> memref<!tpu.dma_semaphore, #tpu.memory_space<semaphore_mem>>
    tpu.wait_indirect_dma semaphore(%dma_wait3A_222 : memref<!tpu.dma_semaphore, #tpu.memory_space<semaphore_mem>>) src(%dma_wait3A_220 : memref<100000x128xf32, #tpu.memory_space<hbm>>) dst(%dma_wait3A_214 : memref<128x128xf32, #tpu.memory_space<vmem>>)
    %add3A_223 = arith.constant 384 : i32
    %add3A_224 = arith.addi %mul3A_2, %add3A_223 : i32
    %dma_start3A_225 = arith.constant 3 : i32
    %dma_start3A_226 = arith.constant 3 : i32
    %dma_start3A_227 = arith.constant 0 : i32
    %dma_start3A_228 = arith.constant 0 : i32
    %dma_start3A_229 = tpu.memref_slice %arg6[%dma_start3A_225, %dma_start3A_227, %dma_start3A_228] : memref<5x128x128xf32, #tpu.memory_space<vmem>> -> memref<1x128x128xf32, #tpu.memory_space<vmem>>
    %dma_start3A_230 = tpu.memref_squeeze %dma_start3A_229 : memref<1x128x128xf32, #tpu.memory_space<vmem>> -> memref<128x128xf32, #tpu.memory_space<vmem>>
    %dma_start3A_231 = arith.constant 0 : i32
    %dma_start3A_232 = tpu.memref_slice %arg4[%add3A_224, %dma_start3A_231] : memref<204800x128xf32, #tpu.memory_space<hbm>> -> memref<128x128xf32, #tpu.memory_space<hbm>>
    %dma_start3A_233 = tpu.memref_slice %arg8[%dma_start3A_226] : memref<5x!tpu.dma_semaphore, #tpu.memory_space<semaphore_mem>> -> memref<1x!tpu.dma_semaphore, #tpu.memory_space<semaphore_mem>>
    %dma_start3A_234 = tpu.memref_squeeze %dma_start3A_233 : memref<1x!tpu.dma_semaphore, #tpu.memory_space<semaphore_mem>> -> memref<!tpu.dma_semaphore, #tpu.memory_space<semaphore_mem>>
    %dma_start3A_235 = arith.constant 0 : i32
    %dma_start3A_236 = tpu.memref_slice %arg4[%add3A_224, %dma_start3A_235] : memref<204800x128xf32, #tpu.memory_space<hbm>> -> memref<128x128xf32, #tpu.memory_space<hbm>>
    %dma_start3A_237 = arith.constant 0 : i32
    %dma_start3A_238 = arith.constant 0 : i32
    %dma_start3A_239 = tpu.memref_slice %arg6[%dma_start3A_225, %dma_start3A_237, %dma_start3A_238] : memref<5x128x128xf32, #tpu.memory_space<vmem>> -> memref<1x128x128xf32, #tpu.memory_space<vmem>>
    %dma_start3A_240 = tpu.memref_squeeze %dma_start3A_239 : memref<1x128x128xf32, #tpu.memory_space<vmem>> -> memref<128x128xf32, #tpu.memory_space<vmem>>
    tpu.enqueue_dma source(%dma_start3A_240 : memref<128x128xf32, #tpu.memory_space<vmem>>) target(%dma_start3A_236 : memref<128x128xf32, #tpu.memory_space<hbm>>) target_semaphore(%dma_start3A_234 : memref<!tpu.dma_semaphore, #tpu.memory_space<semaphore_mem>>)
    %add3A_241 = arith.constant 128 : i32
    %add3A_242 = arith.addi %mul3A_2, %add3A_241 : i32
    %dma_wait3A_243 = arith.constant 1 : i32
    %dma_wait3A_244 = arith.constant 1 : i32
    %dma_wait3A_245 = arith.constant 0 : i32
    %dma_wait3A_246 = arith.constant 0 : i32
    %dma_wait3A_247 = tpu.memref_slice %arg6[%dma_wait3A_243, %dma_wait3A_245, %dma_wait3A_246] : memref<5x128x128xf32, #tpu.memory_space<vmem>> -> memref<1x128x128xf32, #tpu.memory_space<vmem>>
    %dma_wait3A_248 = tpu.memref_squeeze %dma_wait3A_247 : memref<1x128x128xf32, #tpu.memory_space<vmem>> -> memref<128x128xf32, #tpu.memory_space<vmem>>
    %dma_wait3A_249 = arith.constant 0 : i32
    %dma_wait3A_250 = tpu.memref_slice %arg4[%add3A_242, %dma_wait3A_249] : memref<204800x128xf32, #tpu.memory_space<hbm>> -> memref<128x128xf32, #tpu.memory_space<hbm>>
    %dma_wait3A_251 = tpu.memref_slice %arg8[%dma_wait3A_244] : memref<5x!tpu.dma_semaphore, #tpu.memory_space<semaphore_mem>> -> memref<1x!tpu.dma_semaphore, #tpu.memory_space<semaphore_mem>>
    %dma_wait3A_252 = tpu.memref_squeeze %dma_wait3A_251 : memref<1x!tpu.dma_semaphore, #tpu.memory_space<semaphore_mem>> -> memref<!tpu.dma_semaphore, #tpu.memory_space<semaphore_mem>>
    %dma_wait3A_253 = arith.constant 0 : i32
    %dma_wait3A_254 = tpu.memref_slice %arg4[%add3A_242, %dma_wait3A_253] : memref<204800x128xf32, #tpu.memory_space<hbm>> -> memref<128x128xf32, #tpu.memory_space<hbm>>
    %dma_wait3A_255 = arith.constant 0 : i32
    %dma_wait3A_256 = arith.constant 0 : i32
    %dma_wait3A_257 = tpu.memref_slice %arg6[%dma_wait3A_243, %dma_wait3A_255, %dma_wait3A_256] : memref<5x128x128xf32, #tpu.memory_space<vmem>> -> memref<1x128x128xf32, #tpu.memory_space<vmem>>
    %dma_wait3A_258 = tpu.memref_squeeze %dma_wait3A_257 : memref<1x128x128xf32, #tpu.memory_space<vmem>> -> memref<128x128xf32, #tpu.memory_space<vmem>>
    tpu.wait_dma2 semaphore(%dma_wait3A_252 : memref<!tpu.dma_semaphore, #tpu.memory_space<semaphore_mem>>) src(%dma_wait3A_258 : memref<128x128xf32, #tpu.memory_space<vmem>>) dst(%dma_wait3A_254 : memref<128x128xf32, #tpu.memory_space<hbm>>)
    %dma_start3A_259 = arith.constant 6 : i32
    %dma_start3A_260 = arith.constant 1 : i32
    %dma_start3A_261 = arith.constant 1 : i32
    %dma_start3A_262 = arith.constant 0 : i32
    %dma_start3A_263 = arith.constant 0 : i32
    %dma_start3A_264 = tpu.memref_slice %arg6[%dma_start3A_260, %dma_start3A_262, %dma_start3A_263] : memref<5x128x128xf32, #tpu.memory_space<vmem>> -> memref<1x128x128xf32, #tpu.memory_space<vmem>>
    %dma_start3A_265 = tpu.memref_squeeze %dma_start3A_264 : memref<1x128x128xf32, #tpu.memory_space<vmem>> -> memref<128x128xf32, #tpu.memory_space<vmem>>
    %dma_start3A_266 = arith.constant 0 : i32
    %dma_start3A_267 = tpu.memref_slice %arg5[%dma_start3A_259, %dma_start3A_266] : memref<50x128xi32, #tpu.memory_space<vmem>> -> memref<1x128xi32, #tpu.memory_space<vmem>>
    %dma_start3A_268 = tpu.memref_squeeze %dma_start3A_267 : memref<1x128xi32, #tpu.memory_space<vmem>> -> memref<128xi32, #tpu.memory_space<vmem>>
    %dma_start3A_269 = arith.constant 0 : i32
    %dma_start3A_270 = arith.constant 0 : i32
    %dma_start3A_271 = tpu.memref_slice %arg3[%dma_start3A_269, %dma_start3A_270] : memref<100000x128xf32, #tpu.memory_space<hbm>> -> memref<100000x128xf32, #tpu.memory_space<hbm>>
    %dma_start3A_272 = tpu.memref_slice %arg7[%dma_start3A_261] : memref<5x!tpu.dma_semaphore, #tpu.memory_space<semaphore_mem>> -> memref<1x!tpu.dma_semaphore, #tpu.memory_space<semaphore_mem>>
    %dma_start3A_273 = tpu.memref_squeeze %dma_start3A_272 : memref<1x!tpu.dma_semaphore, #tpu.memory_space<semaphore_mem>> -> memref<!tpu.dma_semaphore, #tpu.memory_space<semaphore_mem>>
    tpu.enqueue_indirect_dma source(%dma_start3A_271 : memref<100000x128xf32, #tpu.memory_space<hbm>>) target(%dma_start3A_265 : memref<128x128xf32, #tpu.memory_space<vmem>>) offsets(%dma_start3A_268 : memref<128xi32, #tpu.memory_space<vmem>>) semaphore(%dma_start3A_273 : memref<!tpu.dma_semaphore, #tpu.memory_space<semaphore_mem>>)
    %dma_wait3A_274 = arith.constant 4 : i32
    %dma_wait3A_275 = arith.constant 4 : i32
    %dma_wait3A_276 = arith.constant 4 : i32
    %dma_wait3A_277 = arith.constant 0 : i32
    %dma_wait3A_278 = arith.constant 0 : i32
    %dma_wait3A_279 = tpu.memref_slice %arg6[%dma_wait3A_275, %dma_wait3A_277, %dma_wait3A_278] : memref<5x128x128xf32, #tpu.memory_space<vmem>> -> memref<1x128x128xf32, #tpu.memory_space<vmem>>
    %dma_wait3A_280 = tpu.memref_squeeze %dma_wait3A_279 : memref<1x128x128xf32, #tpu.memory_space<vmem>> -> memref<128x128xf32, #tpu.memory_space<vmem>>
    %dma_wait3A_281 = arith.constant 0 : i32
    %dma_wait3A_282 = tpu.memref_slice %arg5[%dma_wait3A_274, %dma_wait3A_281] : memref<50x128xi32, #tpu.memory_space<vmem>> -> memref<1x128xi32, #tpu.memory_space<vmem>>
    %dma_wait3A_283 = tpu.memref_squeeze %dma_wait3A_282 : memref<1x128xi32, #tpu.memory_space<vmem>> -> memref<128xi32, #tpu.memory_space<vmem>>
    %dma_wait3A_284 = arith.constant 0 : i32
    %dma_wait3A_285 = arith.constant 0 : i32
    %dma_wait3A_286 = tpu.memref_slice %arg3[%dma_wait3A_284, %dma_wait3A_285] : memref<100000x128xf32, #tpu.memory_space<hbm>> -> memref<100000x128xf32, #tpu.memory_space<hbm>>
    %dma_wait3A_287 = tpu.memref_slice %arg7[%dma_wait3A_276] : memref<5x!tpu.dma_semaphore, #tpu.memory_space<semaphore_mem>> -> memref<1x!tpu.dma_semaphore, #tpu.memory_space<semaphore_mem>>
    %dma_wait3A_288 = tpu.memref_squeeze %dma_wait3A_287 : memref<1x!tpu.dma_semaphore, #tpu.memory_space<semaphore_mem>> -> memref<!tpu.dma_semaphore, #tpu.memory_space<semaphore_mem>>
    tpu.wait_indirect_dma semaphore(%dma_wait3A_288 : memref<!tpu.dma_semaphore, #tpu.memory_space<semaphore_mem>>) src(%dma_wait3A_286 : memref<100000x128xf32, #tpu.memory_space<hbm>>) dst(%dma_wait3A_280 : memref<128x128xf32, #tpu.memory_space<vmem>>)
    %add3A_289 = arith.constant 512 : i32
    %add3A_290 = arith.addi %mul3A_2, %add3A_289 : i32
    %dma_start3A_291 = arith.constant 4 : i32
    %dma_start3A_292 = arith.constant 4 : i32
    %dma_start3A_293 = arith.constant 0 : i32
    %dma_start3A_294 = arith.constant 0 : i32
    %dma_start3A_295 = tpu.memref_slice %arg6[%dma_start3A_291, %dma_start3A_293, %dma_start3A_294] : memref<5x128x128xf32, #tpu.memory_space<vmem>> -> memref<1x128x128xf32, #tpu.memory_space<vmem>>
    %dma_start3A_296 = tpu.memref_squeeze %dma_start3A_295 : memref<1x128x128xf32, #tpu.memory_space<vmem>> -> memref<128x128xf32, #tpu.memory_space<vmem>>
    %dma_start3A_297 = arith.constant 0 : i32
    %dma_start3A_298 = tpu.memref_slice %arg4[%add3A_290, %dma_start3A_297] : memref<204800x128xf32, #tpu.memory_space<hbm>> -> memref<128x128xf32, #tpu.memory_space<hbm>>
    %dma_start3A_299 = tpu.memref_slice %arg8[%dma_start3A_292] : memref<5x!tpu.dma_semaphore, #tpu.memory_space<semaphore_mem>> -> memref<1x!tpu.dma_semaphore, #tpu.memory_space<semaphore_mem>>
    %dma_start3A_300 = tpu.memref_squeeze %dma_start3A_299 : memref<1x!tpu.dma_semaphore, #tpu.memory_space<semaphore_mem>> -> memref<!tpu.dma_semaphore, #tpu.memory_space<semaphore_mem>>
    %dma_start3A_301 = arith.constant 0 : i32
    %dma_start3A_302 = tpu.memref_slice %arg4[%add3A_290, %dma_start3A_301] : memref<204800x128xf32, #tpu.memory_space<hbm>> -> memref<128x128xf32, #tpu.memory_space<hbm>>
    %dma_start3A_303 = arith.constant 0 : i32
    %dma_start3A_304 = arith.constant 0 : i32
    %dma_start3A_305 = tpu.memref_slice %arg6[%dma_start3A_291, %dma_start3A_303, %dma_start3A_304] : memref<5x128x128xf32, #tpu.memory_space<vmem>> -> memref<1x128x128xf32, #tpu.memory_space<vmem>>
    %dma_start3A_306 = tpu.memref_squeeze %dma_start3A_305 : memref<1x128x128xf32, #tpu.memory_space<vmem>> -> memref<128x128xf32, #tpu.memory_space<vmem>>
    tpu.enqueue_dma source(%dma_start3A_306 : memref<128x128xf32, #tpu.memory_space<vmem>>) target(%dma_start3A_302 : memref<128x128xf32, #tpu.memory_space<hbm>>) target_semaphore(%dma_start3A_300 : memref<!tpu.dma_semaphore, #tpu.memory_space<semaphore_mem>>)
    %add3A_307 = arith.constant 256 : i32
    %add3A_308 = arith.addi %mul3A_2, %add3A_307 : i32
    %dma_wait3A_309 = arith.constant 2 : i32
    %dma_wait3A_310 = arith.constant 2 : i32
    %dma_wait3A_311 = arith.constant 0 : i32
    %dma_wait3A_312 = arith.constant 0 : i32
    %dma_wait3A_313 = tpu.memref_slice %arg6[%dma_wait3A_309, %dma_wait3A_311, %dma_wait3A_312] : memref<5x128x128xf32, #tpu.memory_space<vmem>> -> memref<1x128x128xf32, #tpu.memory_space<vmem>>
    %dma_wait3A_314 = tpu.memref_squeeze %dma_wait3A_313 : memref<1x128x128xf32, #tpu.memory_space<vmem>> -> memref<128x128xf32, #tpu.memory_space<vmem>>
    %dma_wait3A_315 = arith.constant 0 : i32
    %dma_wait3A_316 = tpu.memref_slice %arg4[%add3A_308, %dma_wait3A_315] : memref<204800x128xf32, #tpu.memory_space<hbm>> -> memref<128x128xf32, #tpu.memory_space<hbm>>
    %dma_wait3A_317 = tpu.memref_slice %arg8[%dma_wait3A_310] : memref<5x!tpu.dma_semaphore, #tpu.memory_space<semaphore_mem>> -> memref<1x!tpu.dma_semaphore, #tpu.memory_space<semaphore_mem>>
    %dma_wait3A_318 = tpu.memref_squeeze %dma_wait3A_317 : memref<1x!tpu.dma_semaphore, #tpu.memory_space<semaphore_mem>> -> memref<!tpu.dma_semaphore, #tpu.memory_space<semaphore_mem>>
    %dma_wait3A_319 = arith.constant 0 : i32
    %dma_wait3A_320 = tpu.memref_slice %arg4[%add3A_308, %dma_wait3A_319] : memref<204800x128xf32, #tpu.memory_space<hbm>> -> memref<128x128xf32, #tpu.memory_space<hbm>>
    %dma_wait3A_321 = arith.constant 0 : i32
    %dma_wait3A_322 = arith.constant 0 : i32
    %dma_wait3A_323 = tpu.memref_slice %arg6[%dma_wait3A_309, %dma_wait3A_321, %dma_wait3A_322] : memref<5x128x128xf32, #tpu.memory_space<vmem>> -> memref<1x128x128xf32, #tpu.memory_space<vmem>>
    %dma_wait3A_324 = tpu.memref_squeeze %dma_wait3A_323 : memref<1x128x128xf32, #tpu.memory_space<vmem>> -> memref<128x128xf32, #tpu.memory_space<vmem>>
    tpu.wait_dma2 semaphore(%dma_wait3A_318 : memref<!tpu.dma_semaphore, #tpu.memory_space<semaphore_mem>>) src(%dma_wait3A_324 : memref<128x128xf32, #tpu.memory_space<vmem>>) dst(%dma_wait3A_320 : memref<128x128xf32, #tpu.memory_space<hbm>>)
    %dma_start3A_325 = arith.constant 7 : i32
    %dma_start3A_326 = arith.constant 2 : i32
    %dma_start3A_327 = arith.constant 2 : i32
    %dma_start3A_328 = arith.constant 0 : i32
    %dma_start3A_329 = arith.constant 0 : i32
    %dma_start3A_330 = tpu.memref_slice %arg6[%dma_start3A_326, %dma_start3A_328, %dma_start3A_329] : memref<5x128x128xf32, #tpu.memory_space<vmem>> -> memref<1x128x128xf32, #tpu.memory_space<vmem>>
    %dma_start3A_331 = tpu.memref_squeeze %dma_start3A_330 : memref<1x128x128xf32, #tpu.memory_space<vmem>> -> memref<128x128xf32, #tpu.memory_space<vmem>>
    %dma_start3A_332 = arith.constant 0 : i32
    %dma_start3A_333 = tpu.memref_slice %arg5[%dma_start3A_325, %dma_start3A_332] : memref<50x128xi32, #tpu.memory_space<vmem>> -> memref<1x128xi32, #tpu.memory_space<vmem>>
    %dma_start3A_334 = tpu.memref_squeeze %dma_start3A_333 : memref<1x128xi32, #tpu.memory_space<vmem>> -> memref<128xi32, #tpu.memory_space<vmem>>
    %dma_start3A_335 = arith.constant 0 : i32
    %dma_start3A_336 = arith.constant 0 : i32
    %dma_start3A_337 = tpu.memref_slice %arg3[%dma_start3A_335, %dma_start3A_336] : memref<100000x128xf32, #tpu.memory_space<hbm>> -> memref<100000x128xf32, #tpu.memory_space<hbm>>
    %dma_start3A_338 = tpu.memref_slice %arg7[%dma_start3A_327] : memref<5x!tpu.dma_semaphore, #tpu.memory_space<semaphore_mem>> -> memref<1x!tpu.dma_semaphore, #tpu.memory_space<semaphore_mem>>
    %dma_start3A_339 = tpu.memref_squeeze %dma_start3A_338 : memref<1x!tpu.dma_semaphore, #tpu.memory_space<semaphore_mem>> -> memref<!tpu.dma_semaphore, #tpu.memory_space<semaphore_mem>>
    tpu.enqueue_indirect_dma source(%dma_start3A_337 : memref<100000x128xf32, #tpu.memory_space<hbm>>) target(%dma_start3A_331 : memref<128x128xf32, #tpu.memory_space<vmem>>) offsets(%dma_start3A_334 : memref<128xi32, #tpu.memory_space<vmem>>) semaphore(%dma_start3A_339 : memref<!tpu.dma_semaphore, #tpu.memory_space<semaphore_mem>>)
    %scan3A = arith.constant 0 : i32
    %scan3A_340 = arith.constant 1 : i32
    %scan3A_341 = arith.constant 9 : i32
    %scan3A_342 = arith.addi %scan3A_340, %scan3A_341 : i32
    %scan3A_343 = arith.constant 1 : i32
    scf.for %scan3A_381 = %scan3A_340 to %scan3A_342 step %scan3A_343  : i32 {
      %mul3A_382 = arith.constant 5 : i32
      %mul3A_383 = arith.muli %scan3A_381, %mul3A_382 : i32
      %add3A_384 = arith.constant 0 : i32
      %add3A_385 = arith.addi %mul3A_383, %add3A_384 : i32
      %dma_wait3A_386 = arith.constant 0 : i32
      %dma_wait3A_387 = arith.constant 0 : i32
      %dma_wait3A_388 = arith.constant 0 : i32
      %dma_wait3A_389 = arith.constant 0 : i32
      %dma_wait3A_390 = tpu.memref_slice %arg6[%dma_wait3A_386, %dma_wait3A_388, %dma_wait3A_389] : memref<5x128x128xf32, #tpu.memory_space<vmem>> -> memref<1x128x128xf32, #tpu.memory_space<vmem>>
      %dma_wait3A_391 = tpu.memref_squeeze %dma_wait3A_390 : memref<1x128x128xf32, #tpu.memory_space<vmem>> -> memref<128x128xf32, #tpu.memory_space<vmem>>
      %dma_wait3A_392 = arith.constant 0 : i32
      %dma_wait3A_393 = tpu.memref_slice %arg5[%add3A_385, %dma_wait3A_392] : memref<50x128xi32, #tpu.memory_space<vmem>> -> memref<1x128xi32, #tpu.memory_space<vmem>>
      %dma_wait3A_394 = tpu.memref_squeeze %dma_wait3A_393 : memref<1x128xi32, #tpu.memory_space<vmem>> -> memref<128xi32, #tpu.memory_space<vmem>>
      %dma_wait3A_395 = arith.constant 0 : i32
      %dma_wait3A_396 = arith.constant 0 : i32
      %dma_wait3A_397 = tpu.memref_slice %arg3[%dma_wait3A_395, %dma_wait3A_396] : memref<100000x128xf32, #tpu.memory_space<hbm>> -> memref<100000x128xf32, #tpu.memory_space<hbm>>
      %dma_wait3A_398 = tpu.memref_slice %arg7[%dma_wait3A_387] : memref<5x!tpu.dma_semaphore, #tpu.memory_space<semaphore_mem>> -> memref<1x!tpu.dma_semaphore, #tpu.memory_space<semaphore_mem>>
      %dma_wait3A_399 = tpu.memref_squeeze %dma_wait3A_398 : memref<1x!tpu.dma_semaphore, #tpu.memory_space<semaphore_mem>> -> memref<!tpu.dma_semaphore, #tpu.memory_space<semaphore_mem>>
      tpu.wait_indirect_dma semaphore(%dma_wait3A_399 : memref<!tpu.dma_semaphore, #tpu.memory_space<semaphore_mem>>) src(%dma_wait3A_397 : memref<100000x128xf32, #tpu.memory_space<hbm>>) dst(%dma_wait3A_391 : memref<128x128xf32, #tpu.memory_space<vmem>>)
      %mul3A_400 = arith.constant 128 : i32
      %mul3A_401 = arith.muli %add3A_385, %mul3A_400 : i32
      %add3A_402 = arith.addi %mul3A_2, %mul3A_401 : i32
      %dma_start3A_403 = arith.constant 0 : i32
      %dma_start3A_404 = arith.constant 0 : i32
      %dma_start3A_405 = arith.constant 0 : i32
      %dma_start3A_406 = arith.constant 0 : i32
      %dma_start3A_407 = tpu.memref_slice %arg6[%dma_start3A_403, %dma_start3A_405, %dma_start3A_406] : memref<5x128x128xf32, #tpu.memory_space<vmem>> -> memref<1x128x128xf32, #tpu.memory_space<vmem>>
      %dma_start3A_408 = tpu.memref_squeeze %dma_start3A_407 : memref<1x128x128xf32, #tpu.memory_space<vmem>> -> memref<128x128xf32, #tpu.memory_space<vmem>>
      %dma_start3A_409 = arith.constant 0 : i32
      %dma_start3A_410 = tpu.memref_slice %arg4[%add3A_402, %dma_start3A_409] : memref<204800x128xf32, #tpu.memory_space<hbm>> -> memref<128x128xf32, #tpu.memory_space<hbm>>
      %dma_start3A_411 = tpu.memref_slice %arg8[%dma_start3A_404] : memref<5x!tpu.dma_semaphore, #tpu.memory_space<semaphore_mem>> -> memref<1x!tpu.dma_semaphore, #tpu.memory_space<semaphore_mem>>
      %dma_start3A_412 = tpu.memref_squeeze %dma_start3A_411 : memref<1x!tpu.dma_semaphore, #tpu.memory_space<semaphore_mem>> -> memref<!tpu.dma_semaphore, #tpu.memory_space<semaphore_mem>>
      %dma_start3A_413 = arith.constant 0 : i32
      %dma_start3A_414 = tpu.memref_slice %arg4[%add3A_402, %dma_start3A_413] : memref<204800x128xf32, #tpu.memory_space<hbm>> -> memref<128x128xf32, #tpu.memory_space<hbm>>
      %dma_start3A_415 = arith.constant 0 : i32
      %dma_start3A_416 = arith.constant 0 : i32
      %dma_start3A_417 = tpu.memref_slice %arg6[%dma_start3A_403, %dma_start3A_415, %dma_start3A_416] : memref<5x128x128xf32, #tpu.memory_space<vmem>> -> memref<1x128x128xf32, #tpu.memory_space<vmem>>
      %dma_start3A_418 = tpu.memref_squeeze %dma_start3A_417 : memref<1x128x128xf32, #tpu.memory_space<vmem>> -> memref<128x128xf32, #tpu.memory_space<vmem>>
      tpu.enqueue_dma source(%dma_start3A_418 : memref<128x128xf32, #tpu.memory_space<vmem>>) target(%dma_start3A_414 : memref<128x128xf32, #tpu.memory_space<hbm>>) target_semaphore(%dma_start3A_412 : memref<!tpu.dma_semaphore, #tpu.memory_space<semaphore_mem>>)
      %sub3A = arith.constant 2 : i32
      %sub3A_419 = arith.subi %add3A_385, %sub3A : i32
      %mul3A_420 = arith.constant 128 : i32
      %mul3A_421 = arith.muli %sub3A_419, %mul3A_420 : i32
      %add3A_422 = arith.addi %mul3A_2, %mul3A_421 : i32
      %dma_wait3A_423 = arith.constant 3 : i32
      %dma_wait3A_424 = arith.constant 3 : i32
      %dma_wait3A_425 = arith.constant 0 : i32
      %dma_wait3A_426 = arith.constant 0 : i32
      %dma_wait3A_427 = tpu.memref_slice %arg6[%dma_wait3A_423, %dma_wait3A_425, %dma_wait3A_426] : memref<5x128x128xf32, #tpu.memory_space<vmem>> -> memref<1x128x128xf32, #tpu.memory_space<vmem>>
      %dma_wait3A_428 = tpu.memref_squeeze %dma_wait3A_427 : memref<1x128x128xf32, #tpu.memory_space<vmem>> -> memref<128x128xf32, #tpu.memory_space<vmem>>
      %dma_wait3A_429 = arith.constant 0 : i32
      %dma_wait3A_430 = tpu.memref_slice %arg4[%add3A_422, %dma_wait3A_429] : memref<204800x128xf32, #tpu.memory_space<hbm>> -> memref<128x128xf32, #tpu.memory_space<hbm>>
      %dma_wait3A_431 = tpu.memref_slice %arg8[%dma_wait3A_424] : memref<5x!tpu.dma_semaphore, #tpu.memory_space<semaphore_mem>> -> memref<1x!tpu.dma_semaphore, #tpu.memory_space<semaphore_mem>>
      %dma_wait3A_432 = tpu.memref_squeeze %dma_wait3A_431 : memref<1x!tpu.dma_semaphore, #tpu.memory_space<semaphore_mem>> -> memref<!tpu.dma_semaphore, #tpu.memory_space<semaphore_mem>>
      %dma_wait3A_433 = arith.constant 0 : i32
      %dma_wait3A_434 = tpu.memref_slice %arg4[%add3A_422, %dma_wait3A_433] : memref<204800x128xf32, #tpu.memory_space<hbm>> -> memref<128x128xf32, #tpu.memory_space<hbm>>
      %dma_wait3A_435 = arith.constant 0 : i32
      %dma_wait3A_436 = arith.constant 0 : i32
      %dma_wait3A_437 = tpu.memref_slice %arg6[%dma_wait3A_423, %dma_wait3A_435, %dma_wait3A_436] : memref<5x128x128xf32, #tpu.memory_space<vmem>> -> memref<1x128x128xf32, #tpu.memory_space<vmem>>
      %dma_wait3A_438 = tpu.memref_squeeze %dma_wait3A_437 : memref<1x128x128xf32, #tpu.memory_space<vmem>> -> memref<128x128xf32, #tpu.memory_space<vmem>>
      tpu.wait_dma2 semaphore(%dma_wait3A_432 : memref<!tpu.dma_semaphore, #tpu.memory_space<semaphore_mem>>) src(%dma_wait3A_438 : memref<128x128xf32, #tpu.memory_space<vmem>>) dst(%dma_wait3A_434 : memref<128x128xf32, #tpu.memory_space<hbm>>)
      %add3A_439 = arith.constant 3 : i32
      %add3A_440 = arith.addi %add3A_385, %add3A_439 : i32
      %lt3A = arith.constant 50 : i32
      %lt3A_441 = arith.cmpi slt, %add3A_440, %lt3A : i32
      %convert_element_type3A = arith.extui %lt3A_441 : i1 to i32
      %cond3A = arith.constant 0 : i32
      %cond3A_442 = arith.cmpi ne, %convert_element_type3A, %cond3A : i32
      scf.if %cond3A_442 {
        %add3A_703 = arith.constant 3 : i32
        %add3A_704 = arith.addi %add3A_385, %add3A_703 : i32
        %dma_start3A_705 = arith.constant 3 : i32
        %dma_start3A_706 = arith.constant 3 : i32
        %dma_start3A_707 = arith.constant 0 : i32
        %dma_start3A_708 = arith.constant 0 : i32
        %dma_start3A_709 = tpu.memref_slice %arg6[%dma_start3A_705, %dma_start3A_707, %dma_start3A_708] : memref<5x128x128xf32, #tpu.memory_space<vmem>> -> memref<1x128x128xf32, #tpu.memory_space<vmem>>
        %dma_start3A_710 = tpu.memref_squeeze %dma_start3A_709 : memref<1x128x128xf32, #tpu.memory_space<vmem>> -> memref<128x128xf32, #tpu.memory_space<vmem>>
        %dma_start3A_711 = arith.constant 0 : i32
        %dma_start3A_712 = tpu.memref_slice %arg5[%add3A_704, %dma_start3A_711] : memref<50x128xi32, #tpu.memory_space<vmem>> -> memref<1x128xi32, #tpu.memory_space<vmem>>
        %dma_start3A_713 = tpu.memref_squeeze %dma_start3A_712 : memref<1x128xi32, #tpu.memory_space<vmem>> -> memref<128xi32, #tpu.memory_space<vmem>>
        %dma_start3A_714 = arith.constant 0 : i32
        %dma_start3A_715 = arith.constant 0 : i32
        %dma_start3A_716 = tpu.memref_slice %arg3[%dma_start3A_714, %dma_start3A_715] : memref<100000x128xf32, #tpu.memory_space<hbm>> -> memref<100000x128xf32, #tpu.memory_space<hbm>>
        %dma_start3A_717 = tpu.memref_slice %arg7[%dma_start3A_706] : memref<5x!tpu.dma_semaphore, #tpu.memory_space<semaphore_mem>> -> memref<1x!tpu.dma_semaphore, #tpu.memory_space<semaphore_mem>>
        %dma_start3A_718 = tpu.memref_squeeze %dma_start3A_717 : memref<1x!tpu.dma_semaphore, #tpu.memory_space<semaphore_mem>> -> memref<!tpu.dma_semaphore, #tpu.memory_space<semaphore_mem>>
        tpu.enqueue_indirect_dma source(%dma_start3A_716 : memref<100000x128xf32, #tpu.memory_space<hbm>>) target(%dma_start3A_710 : memref<128x128xf32, #tpu.memory_space<vmem>>) offsets(%dma_start3A_713 : memref<128xi32, #tpu.memory_space<vmem>>) semaphore(%dma_start3A_718 : memref<!tpu.dma_semaphore, #tpu.memory_space<semaphore_mem>>)
      } else {
      }
      %mul3A_443 = arith.constant 5 : i32
      %mul3A_444 = arith.muli %scan3A_381, %mul3A_443 : i32
      %add3A_445 = arith.constant 1 : i32
      %add3A_446 = arith.addi %mul3A_444, %add3A_445 : i32
      %dma_wait3A_447 = arith.constant 1 : i32
      %dma_wait3A_448 = arith.constant 1 : i32
      %dma_wait3A_449 = arith.constant 0 : i32
      %dma_wait3A_450 = arith.constant 0 : i32
      %dma_wait3A_451 = tpu.memref_slice %arg6[%dma_wait3A_447, %dma_wait3A_449, %dma_wait3A_450] : memref<5x128x128xf32, #tpu.memory_space<vmem>> -> memref<1x128x128xf32, #tpu.memory_space<vmem>>
      %dma_wait3A_452 = tpu.memref_squeeze %dma_wait3A_451 : memref<1x128x128xf32, #tpu.memory_space<vmem>> -> memref<128x128xf32, #tpu.memory_space<vmem>>
      %dma_wait3A_453 = arith.constant 0 : i32
      %dma_wait3A_454 = tpu.memref_slice %arg5[%add3A_446, %dma_wait3A_453] : memref<50x128xi32, #tpu.memory_space<vmem>> -> memref<1x128xi32, #tpu.memory_space<vmem>>
      %dma_wait3A_455 = tpu.memref_squeeze %dma_wait3A_454 : memref<1x128xi32, #tpu.memory_space<vmem>> -> memref<128xi32, #tpu.memory_space<vmem>>
      %dma_wait3A_456 = arith.constant 0 : i32
      %dma_wait3A_457 = arith.constant 0 : i32
      %dma_wait3A_458 = tpu.memref_slice %arg3[%dma_wait3A_456, %dma_wait3A_457] : memref<100000x128xf32, #tpu.memory_space<hbm>> -> memref<100000x128xf32, #tpu.memory_space<hbm>>
      %dma_wait3A_459 = tpu.memref_slice %arg7[%dma_wait3A_448] : memref<5x!tpu.dma_semaphore, #tpu.memory_space<semaphore_mem>> -> memref<1x!tpu.dma_semaphore, #tpu.memory_space<semaphore_mem>>
      %dma_wait3A_460 = tpu.memref_squeeze %dma_wait3A_459 : memref<1x!tpu.dma_semaphore, #tpu.memory_space<semaphore_mem>> -> memref<!tpu.dma_semaphore, #tpu.memory_space<semaphore_mem>>
      tpu.wait_indirect_dma semaphore(%dma_wait3A_460 : memref<!tpu.dma_semaphore, #tpu.memory_space<semaphore_mem>>) src(%dma_wait3A_458 : memref<100000x128xf32, #tpu.memory_space<hbm>>) dst(%dma_wait3A_452 : memref<128x128xf32, #tpu.memory_space<vmem>>)
      %mul3A_461 = arith.constant 128 : i32
      %mul3A_462 = arith.muli %add3A_446, %mul3A_461 : i32
      %add3A_463 = arith.addi %mul3A_2, %mul3A_462 : i32
      %dma_start3A_464 = arith.constant 1 : i32
      %dma_start3A_465 = arith.constant 1 : i32
      %dma_start3A_466 = arith.constant 0 : i32
      %dma_start3A_467 = arith.constant 0 : i32
      %dma_start3A_468 = tpu.memref_slice %arg6[%dma_start3A_464, %dma_start3A_466, %dma_start3A_467] : memref<5x128x128xf32, #tpu.memory_space<vmem>> -> memref<1x128x128xf32, #tpu.memory_space<vmem>>
      %dma_start3A_469 = tpu.memref_squeeze %dma_start3A_468 : memref<1x128x128xf32, #tpu.memory_space<vmem>> -> memref<128x128xf32, #tpu.memory_space<vmem>>
      %dma_start3A_470 = arith.constant 0 : i32
      %dma_start3A_471 = tpu.memref_slice %arg4[%add3A_463, %dma_start3A_470] : memref<204800x128xf32, #tpu.memory_space<hbm>> -> memref<128x128xf32, #tpu.memory_space<hbm>>
      %dma_start3A_472 = tpu.memref_slice %arg8[%dma_start3A_465] : memref<5x!tpu.dma_semaphore, #tpu.memory_space<semaphore_mem>> -> memref<1x!tpu.dma_semaphore, #tpu.memory_space<semaphore_mem>>
      %dma_start3A_473 = tpu.memref_squeeze %dma_start3A_472 : memref<1x!tpu.dma_semaphore, #tpu.memory_space<semaphore_mem>> -> memref<!tpu.dma_semaphore, #tpu.memory_space<semaphore_mem>>
      %dma_start3A_474 = arith.constant 0 : i32
      %dma_start3A_475 = tpu.memref_slice %arg4[%add3A_463, %dma_start3A_474] : memref<204800x128xf32, #tpu.memory_space<hbm>> -> memref<128x128xf32, #tpu.memory_space<hbm>>
      %dma_start3A_476 = arith.constant 0 : i32
      %dma_start3A_477 = arith.constant 0 : i32
      %dma_start3A_478 = tpu.memref_slice %arg6[%dma_start3A_464, %dma_start3A_476, %dma_start3A_477] : memref<5x128x128xf32, #tpu.memory_space<vmem>> -> memref<1x128x128xf32, #tpu.memory_space<vmem>>
      %dma_start3A_479 = tpu.memref_squeeze %dma_start3A_478 : memref<1x128x128xf32, #tpu.memory_space<vmem>> -> memref<128x128xf32, #tpu.memory_space<vmem>>
      tpu.enqueue_dma source(%dma_start3A_479 : memref<128x128xf32, #tpu.memory_space<vmem>>) target(%dma_start3A_475 : memref<128x128xf32, #tpu.memory_space<hbm>>) target_semaphore(%dma_start3A_473 : memref<!tpu.dma_semaphore, #tpu.memory_space<semaphore_mem>>)
      %sub3A_480 = arith.constant 2 : i32
      %sub3A_481 = arith.subi %add3A_446, %sub3A_480 : i32
      %mul3A_482 = arith.constant 128 : i32
      %mul3A_483 = arith.muli %sub3A_481, %mul3A_482 : i32
      %add3A_484 = arith.addi %mul3A_2, %mul3A_483 : i32
      %dma_wait3A_485 = arith.constant 4 : i32
      %dma_wait3A_486 = arith.constant 4 : i32
      %dma_wait3A_487 = arith.constant 0 : i32
      %dma_wait3A_488 = arith.constant 0 : i32
      %dma_wait3A_489 = tpu.memref_slice %arg6[%dma_wait3A_485, %dma_wait3A_487, %dma_wait3A_488] : memref<5x128x128xf32, #tpu.memory_space<vmem>> -> memref<1x128x128xf32, #tpu.memory_space<vmem>>
      %dma_wait3A_490 = tpu.memref_squeeze %dma_wait3A_489 : memref<1x128x128xf32, #tpu.memory_space<vmem>> -> memref<128x128xf32, #tpu.memory_space<vmem>>
      %dma_wait3A_491 = arith.constant 0 : i32
      %dma_wait3A_492 = tpu.memref_slice %arg4[%add3A_484, %dma_wait3A_491] : memref<204800x128xf32, #tpu.memory_space<hbm>> -> memref<128x128xf32, #tpu.memory_space<hbm>>
      %dma_wait3A_493 = tpu.memref_slice %arg8[%dma_wait3A_486] : memref<5x!tpu.dma_semaphore, #tpu.memory_space<semaphore_mem>> -> memref<1x!tpu.dma_semaphore, #tpu.memory_space<semaphore_mem>>
      %dma_wait3A_494 = tpu.memref_squeeze %dma_wait3A_493 : memref<1x!tpu.dma_semaphore, #tpu.memory_space<semaphore_mem>> -> memref<!tpu.dma_semaphore, #tpu.memory_space<semaphore_mem>>
      %dma_wait3A_495 = arith.constant 0 : i32
      %dma_wait3A_496 = tpu.memref_slice %arg4[%add3A_484, %dma_wait3A_495] : memref<204800x128xf32, #tpu.memory_space<hbm>> -> memref<128x128xf32, #tpu.memory_space<hbm>>
      %dma_wait3A_497 = arith.constant 0 : i32
      %dma_wait3A_498 = arith.constant 0 : i32
      %dma_wait3A_499 = tpu.memref_slice %arg6[%dma_wait3A_485, %dma_wait3A_497, %dma_wait3A_498] : memref<5x128x128xf32, #tpu.memory_space<vmem>> -> memref<1x128x128xf32, #tpu.memory_space<vmem>>
      %dma_wait3A_500 = tpu.memref_squeeze %dma_wait3A_499 : memref<1x128x128xf32, #tpu.memory_space<vmem>> -> memref<128x128xf32, #tpu.memory_space<vmem>>
      tpu.wait_dma2 semaphore(%dma_wait3A_494 : memref<!tpu.dma_semaphore, #tpu.memory_space<semaphore_mem>>) src(%dma_wait3A_500 : memref<128x128xf32, #tpu.memory_space<vmem>>) dst(%dma_wait3A_496 : memref<128x128xf32, #tpu.memory_space<hbm>>)
      %add3A_501 = arith.constant 3 : i32
      %add3A_502 = arith.addi %add3A_446, %add3A_501 : i32
      %lt3A_503 = arith.constant 50 : i32
      %lt3A_504 = arith.cmpi slt, %add3A_502, %lt3A_503 : i32
      %convert_element_type3A_505 = arith.extui %lt3A_504 : i1 to i32
      %cond3A_506 = arith.constant 0 : i32
      %cond3A_507 = arith.cmpi ne, %convert_element_type3A_505, %cond3A_506 : i32
      scf.if %cond3A_507 {
        %add3A_703 = arith.constant 3 : i32
        %add3A_704 = arith.addi %add3A_446, %add3A_703 : i32
        %dma_start3A_705 = arith.constant 4 : i32
        %dma_start3A_706 = arith.constant 4 : i32
        %dma_start3A_707 = arith.constant 0 : i32
        %dma_start3A_708 = arith.constant 0 : i32
        %dma_start3A_709 = tpu.memref_slice %arg6[%dma_start3A_705, %dma_start3A_707, %dma_start3A_708] : memref<5x128x128xf32, #tpu.memory_space<vmem>> -> memref<1x128x128xf32, #tpu.memory_space<vmem>>
        %dma_start3A_710 = tpu.memref_squeeze %dma_start3A_709 : memref<1x128x128xf32, #tpu.memory_space<vmem>> -> memref<128x128xf32, #tpu.memory_space<vmem>>
        %dma_start3A_711 = arith.constant 0 : i32
        %dma_start3A_712 = tpu.memref_slice %arg5[%add3A_704, %dma_start3A_711] : memref<50x128xi32, #tpu.memory_space<vmem>> -> memref<1x128xi32, #tpu.memory_space<vmem>>
        %dma_start3A_713 = tpu.memref_squeeze %dma_start3A_712 : memref<1x128xi32, #tpu.memory_space<vmem>> -> memref<128xi32, #tpu.memory_space<vmem>>
        %dma_start3A_714 = arith.constant 0 : i32
        %dma_start3A_715 = arith.constant 0 : i32
        %dma_start3A_716 = tpu.memref_slice %arg3[%dma_start3A_714, %dma_start3A_715] : memref<100000x128xf32, #tpu.memory_space<hbm>> -> memref<100000x128xf32, #tpu.memory_space<hbm>>
        %dma_start3A_717 = tpu.memref_slice %arg7[%dma_start3A_706] : memref<5x!tpu.dma_semaphore, #tpu.memory_space<semaphore_mem>> -> memref<1x!tpu.dma_semaphore, #tpu.memory_space<semaphore_mem>>
        %dma_start3A_718 = tpu.memref_squeeze %dma_start3A_717 : memref<1x!tpu.dma_semaphore, #tpu.memory_space<semaphore_mem>> -> memref<!tpu.dma_semaphore, #tpu.memory_space<semaphore_mem>>
        tpu.enqueue_indirect_dma source(%dma_start3A_716 : memref<100000x128xf32, #tpu.memory_space<hbm>>) target(%dma_start3A_710 : memref<128x128xf32, #tpu.memory_space<vmem>>) offsets(%dma_start3A_713 : memref<128xi32, #tpu.memory_space<vmem>>) semaphore(%dma_start3A_718 : memref<!tpu.dma_semaphore, #tpu.memory_space<semaphore_mem>>)
      } else {
      }
      %mul3A_508 = arith.constant 5 : i32
      %mul3A_509 = arith.muli %scan3A_381, %mul3A_508 : i32
      %add3A_510 = arith.constant 2 : i32
      %add3A_511 = arith.addi %mul3A_509, %add3A_510 : i32
      %dma_wait3A_512 = arith.constant 2 : i32
      %dma_wait3A_513 = arith.constant 2 : i32
      %dma_wait3A_514 = arith.constant 0 : i32
      %dma_wait3A_515 = arith.constant 0 : i32
      %dma_wait3A_516 = tpu.memref_slice %arg6[%dma_wait3A_512, %dma_wait3A_514, %dma_wait3A_515] : memref<5x128x128xf32, #tpu.memory_space<vmem>> -> memref<1x128x128xf32, #tpu.memory_space<vmem>>
      %dma_wait3A_517 = tpu.memref_squeeze %dma_wait3A_516 : memref<1x128x128xf32, #tpu.memory_space<vmem>> -> memref<128x128xf32, #tpu.memory_space<vmem>>
      %dma_wait3A_518 = arith.constant 0 : i32
      %dma_wait3A_519 = tpu.memref_slice %arg5[%add3A_511, %dma_wait3A_518] : memref<50x128xi32, #tpu.memory_space<vmem>> -> memref<1x128xi32, #tpu.memory_space<vmem>>
      %dma_wait3A_520 = tpu.memref_squeeze %dma_wait3A_519 : memref<1x128xi32, #tpu.memory_space<vmem>> -> memref<128xi32, #tpu.memory_space<vmem>>
      %dma_wait3A_521 = arith.constant 0 : i32
      %dma_wait3A_522 = arith.constant 0 : i32
      %dma_wait3A_523 = tpu.memref_slice %arg3[%dma_wait3A_521, %dma_wait3A_522] : memref<100000x128xf32, #tpu.memory_space<hbm>> -> memref<100000x128xf32, #tpu.memory_space<hbm>>
      %dma_wait3A_524 = tpu.memref_slice %arg7[%dma_wait3A_513] : memref<5x!tpu.dma_semaphore, #tpu.memory_space<semaphore_mem>> -> memref<1x!tpu.dma_semaphore, #tpu.memory_space<semaphore_mem>>
      %dma_wait3A_525 = tpu.memref_squeeze %dma_wait3A_524 : memref<1x!tpu.dma_semaphore, #tpu.memory_space<semaphore_mem>> -> memref<!tpu.dma_semaphore, #tpu.memory_space<semaphore_mem>>
      tpu.wait_indirect_dma semaphore(%dma_wait3A_525 : memref<!tpu.dma_semaphore, #tpu.memory_space<semaphore_mem>>) src(%dma_wait3A_523 : memref<100000x128xf32, #tpu.memory_space<hbm>>) dst(%dma_wait3A_517 : memref<128x128xf32, #tpu.memory_space<vmem>>)
      %mul3A_526 = arith.constant 128 : i32
      %mul3A_527 = arith.muli %add3A_511, %mul3A_526 : i32
      %add3A_528 = arith.addi %mul3A_2, %mul3A_527 : i32
      %dma_start3A_529 = arith.constant 2 : i32
      %dma_start3A_530 = arith.constant 2 : i32
      %dma_start3A_531 = arith.constant 0 : i32
      %dma_start3A_532 = arith.constant 0 : i32
      %dma_start3A_533 = tpu.memref_slice %arg6[%dma_start3A_529, %dma_start3A_531, %dma_start3A_532] : memref<5x128x128xf32, #tpu.memory_space<vmem>> -> memref<1x128x128xf32, #tpu.memory_space<vmem>>
      %dma_start3A_534 = tpu.memref_squeeze %dma_start3A_533 : memref<1x128x128xf32, #tpu.memory_space<vmem>> -> memref<128x128xf32, #tpu.memory_space<vmem>>
      %dma_start3A_535 = arith.constant 0 : i32
      %dma_start3A_536 = tpu.memref_slice %arg4[%add3A_528, %dma_start3A_535] : memref<204800x128xf32, #tpu.memory_space<hbm>> -> memref<128x128xf32, #tpu.memory_space<hbm>>
      %dma_start3A_537 = tpu.memref_slice %arg8[%dma_start3A_530] : memref<5x!tpu.dma_semaphore, #tpu.memory_space<semaphore_mem>> -> memref<1x!tpu.dma_semaphore, #tpu.memory_space<semaphore_mem>>
      %dma_start3A_538 = tpu.memref_squeeze %dma_start3A_537 : memref<1x!tpu.dma_semaphore, #tpu.memory_space<semaphore_mem>> -> memref<!tpu.dma_semaphore, #tpu.memory_space<semaphore_mem>>
      %dma_start3A_539 = arith.constant 0 : i32
      %dma_start3A_540 = tpu.memref_slice %arg4[%add3A_528, %dma_start3A_539] : memref<204800x128xf32, #tpu.memory_space<hbm>> -> memref<128x128xf32, #tpu.memory_space<hbm>>
      %dma_start3A_541 = arith.constant 0 : i32
      %dma_start3A_542 = arith.constant 0 : i32
      %dma_start3A_543 = tpu.memref_slice %arg6[%dma_start3A_529, %dma_start3A_541, %dma_start3A_542] : memref<5x128x128xf32, #tpu.memory_space<vmem>> -> memref<1x128x128xf32, #tpu.memory_space<vmem>>
      %dma_start3A_544 = tpu.memref_squeeze %dma_start3A_543 : memref<1x128x128xf32, #tpu.memory_space<vmem>> -> memref<128x128xf32, #tpu.memory_space<vmem>>
      tpu.enqueue_dma source(%dma_start3A_544 : memref<128x128xf32, #tpu.memory_space<vmem>>) target(%dma_start3A_540 : memref<128x128xf32, #tpu.memory_space<hbm>>) target_semaphore(%dma_start3A_538 : memref<!tpu.dma_semaphore, #tpu.memory_space<semaphore_mem>>)
      %sub3A_545 = arith.constant 2 : i32
      %sub3A_546 = arith.subi %add3A_511, %sub3A_545 : i32
      %mul3A_547 = arith.constant 128 : i32
      %mul3A_548 = arith.muli %sub3A_546, %mul3A_547 : i32
      %add3A_549 = arith.addi %mul3A_2, %mul3A_548 : i32
      %dma_wait3A_550 = arith.constant 0 : i32
      %dma_wait3A_551 = arith.constant 0 : i32
      %dma_wait3A_552 = arith.constant 0 : i32
      %dma_wait3A_553 = arith.constant 0 : i32
      %dma_wait3A_554 = tpu.memref_slice %arg6[%dma_wait3A_550, %dma_wait3A_552, %dma_wait3A_553] : memref<5x128x128xf32, #tpu.memory_space<vmem>> -> memref<1x128x128xf32, #tpu.memory_space<vmem>>
      %dma_wait3A_555 = tpu.memref_squeeze %dma_wait3A_554 : memref<1x128x128xf32, #tpu.memory_space<vmem>> -> memref<128x128xf32, #tpu.memory_space<vmem>>
      %dma_wait3A_556 = arith.constant 0 : i32
      %dma_wait3A_557 = tpu.memref_slice %arg4[%add3A_549, %dma_wait3A_556] : memref<204800x128xf32, #tpu.memory_space<hbm>> -> memref<128x128xf32, #tpu.memory_space<hbm>>
      %dma_wait3A_558 = tpu.memref_slice %arg8[%dma_wait3A_551] : memref<5x!tpu.dma_semaphore, #tpu.memory_space<semaphore_mem>> -> memref<1x!tpu.dma_semaphore, #tpu.memory_space<semaphore_mem>>
      %dma_wait3A_559 = tpu.memref_squeeze %dma_wait3A_558 : memref<1x!tpu.dma_semaphore, #tpu.memory_space<semaphore_mem>> -> memref<!tpu.dma_semaphore, #tpu.memory_space<semaphore_mem>>
      %dma_wait3A_560 = arith.constant 0 : i32
      %dma_wait3A_561 = tpu.memref_slice %arg4[%add3A_549, %dma_wait3A_560] : memref<204800x128xf32, #tpu.memory_space<hbm>> -> memref<128x128xf32, #tpu.memory_space<hbm>>
      %dma_wait3A_562 = arith.constant 0 : i32
      %dma_wait3A_563 = arith.constant 0 : i32
      %dma_wait3A_564 = tpu.memref_slice %arg6[%dma_wait3A_550, %dma_wait3A_562, %dma_wait3A_563] : memref<5x128x128xf32, #tpu.memory_space<vmem>> -> memref<1x128x128xf32, #tpu.memory_space<vmem>>
      %dma_wait3A_565 = tpu.memref_squeeze %dma_wait3A_564 : memref<1x128x128xf32, #tpu.memory_space<vmem>> -> memref<128x128xf32, #tpu.memory_space<vmem>>
      tpu.wait_dma2 semaphore(%dma_wait3A_559 : memref<!tpu.dma_semaphore, #tpu.memory_space<semaphore_mem>>) src(%dma_wait3A_565 : memref<128x128xf32, #tpu.memory_space<vmem>>) dst(%dma_wait3A_561 : memref<128x128xf32, #tpu.memory_space<hbm>>)
      %add3A_566 = arith.constant 3 : i32
      %add3A_567 = arith.addi %add3A_511, %add3A_566 : i32
      %lt3A_568 = arith.constant 50 : i32
      %lt3A_569 = arith.cmpi slt, %add3A_567, %lt3A_568 : i32
      %convert_element_type3A_570 = arith.extui %lt3A_569 : i1 to i32
      %cond3A_571 = arith.constant 0 : i32
      %cond3A_572 = arith.cmpi ne, %convert_element_type3A_570, %cond3A_571 : i32
      scf.if %cond3A_572 {
        %add3A_703 = arith.constant 3 : i32
        %add3A_704 = arith.addi %add3A_511, %add3A_703 : i32
        %dma_start3A_705 = arith.constant 0 : i32
        %dma_start3A_706 = arith.constant 0 : i32
        %dma_start3A_707 = arith.constant 0 : i32
        %dma_start3A_708 = arith.constant 0 : i32
        %dma_start3A_709 = tpu.memref_slice %arg6[%dma_start3A_705, %dma_start3A_707, %dma_start3A_708] : memref<5x128x128xf32, #tpu.memory_space<vmem>> -> memref<1x128x128xf32, #tpu.memory_space<vmem>>
        %dma_start3A_710 = tpu.memref_squeeze %dma_start3A_709 : memref<1x128x128xf32, #tpu.memory_space<vmem>> -> memref<128x128xf32, #tpu.memory_space<vmem>>
        %dma_start3A_711 = arith.constant 0 : i32
        %dma_start3A_712 = tpu.memref_slice %arg5[%add3A_704, %dma_start3A_711] : memref<50x128xi32, #tpu.memory_space<vmem>> -> memref<1x128xi32, #tpu.memory_space<vmem>>
        %dma_start3A_713 = tpu.memref_squeeze %dma_start3A_712 : memref<1x128xi32, #tpu.memory_space<vmem>> -> memref<128xi32, #tpu.memory_space<vmem>>
        %dma_start3A_714 = arith.constant 0 : i32
        %dma_start3A_715 = arith.constant 0 : i32
        %dma_start3A_716 = tpu.memref_slice %arg3[%dma_start3A_714, %dma_start3A_715] : memref<100000x128xf32, #tpu.memory_space<hbm>> -> memref<100000x128xf32, #tpu.memory_space<hbm>>
        %dma_start3A_717 = tpu.memref_slice %arg7[%dma_start3A_706] : memref<5x!tpu.dma_semaphore, #tpu.memory_space<semaphore_mem>> -> memref<1x!tpu.dma_semaphore, #tpu.memory_space<semaphore_mem>>
        %dma_start3A_718 = tpu.memref_squeeze %dma_start3A_717 : memref<1x!tpu.dma_semaphore, #tpu.memory_space<semaphore_mem>> -> memref<!tpu.dma_semaphore, #tpu.memory_space<semaphore_mem>>
        tpu.enqueue_indirect_dma source(%dma_start3A_716 : memref<100000x128xf32, #tpu.memory_space<hbm>>) target(%dma_start3A_710 : memref<128x128xf32, #tpu.memory_space<vmem>>) offsets(%dma_start3A_713 : memref<128xi32, #tpu.memory_space<vmem>>) semaphore(%dma_start3A_718 : memref<!tpu.dma_semaphore, #tpu.memory_space<semaphore_mem>>)
      } else {
      }
      %mul3A_573 = arith.constant 5 : i32
      %mul3A_574 = arith.muli %scan3A_381, %mul3A_573 : i32
      %add3A_575 = arith.constant 3 : i32
      %add3A_576 = arith.addi %mul3A_574, %add3A_575 : i32
      %dma_wait3A_577 = arith.constant 3 : i32
      %dma_wait3A_578 = arith.constant 3 : i32
      %dma_wait3A_579 = arith.constant 0 : i32
      %dma_wait3A_580 = arith.constant 0 : i32
      %dma_wait3A_581 = tpu.memref_slice %arg6[%dma_wait3A_577, %dma_wait3A_579, %dma_wait3A_580] : memref<5x128x128xf32, #tpu.memory_space<vmem>> -> memref<1x128x128xf32, #tpu.memory_space<vmem>>
      %dma_wait3A_582 = tpu.memref_squeeze %dma_wait3A_581 : memref<1x128x128xf32, #tpu.memory_space<vmem>> -> memref<128x128xf32, #tpu.memory_space<vmem>>
      %dma_wait3A_583 = arith.constant 0 : i32
      %dma_wait3A_584 = tpu.memref_slice %arg5[%add3A_576, %dma_wait3A_583] : memref<50x128xi32, #tpu.memory_space<vmem>> -> memref<1x128xi32, #tpu.memory_space<vmem>>
      %dma_wait3A_585 = tpu.memref_squeeze %dma_wait3A_584 : memref<1x128xi32, #tpu.memory_space<vmem>> -> memref<128xi32, #tpu.memory_space<vmem>>
      %dma_wait3A_586 = arith.constant 0 : i32
      %dma_wait3A_587 = arith.constant 0 : i32
      %dma_wait3A_588 = tpu.memref_slice %arg3[%dma_wait3A_586, %dma_wait3A_587] : memref<100000x128xf32, #tpu.memory_space<hbm>> -> memref<100000x128xf32, #tpu.memory_space<hbm>>
      %dma_wait3A_589 = tpu.memref_slice %arg7[%dma_wait3A_578] : memref<5x!tpu.dma_semaphore, #tpu.memory_space<semaphore_mem>> -> memref<1x!tpu.dma_semaphore, #tpu.memory_space<semaphore_mem>>
      %dma_wait3A_590 = tpu.memref_squeeze %dma_wait3A_589 : memref<1x!tpu.dma_semaphore, #tpu.memory_space<semaphore_mem>> -> memref<!tpu.dma_semaphore, #tpu.memory_space<semaphore_mem>>
      tpu.wait_indirect_dma semaphore(%dma_wait3A_590 : memref<!tpu.dma_semaphore, #tpu.memory_space<semaphore_mem>>) src(%dma_wait3A_588 : memref<100000x128xf32, #tpu.memory_space<hbm>>) dst(%dma_wait3A_582 : memref<128x128xf32, #tpu.memory_space<vmem>>)
      %mul3A_591 = arith.constant 128 : i32
      %mul3A_592 = arith.muli %add3A_576, %mul3A_591 : i32
      %add3A_593 = arith.addi %mul3A_2, %mul3A_592 : i32
      %dma_start3A_594 = arith.constant 3 : i32
      %dma_start3A_595 = arith.constant 3 : i32
      %dma_start3A_596 = arith.constant 0 : i32
      %dma_start3A_597 = arith.constant 0 : i32
      %dma_start3A_598 = tpu.memref_slice %arg6[%dma_start3A_594, %dma_start3A_596, %dma_start3A_597] : memref<5x128x128xf32, #tpu.memory_space<vmem>> -> memref<1x128x128xf32, #tpu.memory_space<vmem>>
      %dma_start3A_599 = tpu.memref_squeeze %dma_start3A_598 : memref<1x128x128xf32, #tpu.memory_space<vmem>> -> memref<128x128xf32, #tpu.memory_space<vmem>>
      %dma_start3A_600 = arith.constant 0 : i32
      %dma_start3A_601 = tpu.memref_slice %arg4[%add3A_593, %dma_start3A_600] : memref<204800x128xf32, #tpu.memory_space<hbm>> -> memref<128x128xf32, #tpu.memory_space<hbm>>
      %dma_start3A_602 = tpu.memref_slice %arg8[%dma_start3A_595] : memref<5x!tpu.dma_semaphore, #tpu.memory_space<semaphore_mem>> -> memref<1x!tpu.dma_semaphore, #tpu.memory_space<semaphore_mem>>
      %dma_start3A_603 = tpu.memref_squeeze %dma_start3A_602 : memref<1x!tpu.dma_semaphore, #tpu.memory_space<semaphore_mem>> -> memref<!tpu.dma_semaphore, #tpu.memory_space<semaphore_mem>>
      %dma_start3A_604 = arith.constant 0 : i32
      %dma_start3A_605 = tpu.memref_slice %arg4[%add3A_593, %dma_start3A_604] : memref<204800x128xf32, #tpu.memory_space<hbm>> -> memref<128x128xf32, #tpu.memory_space<hbm>>
      %dma_start3A_606 = arith.constant 0 : i32
      %dma_start3A_607 = arith.constant 0 : i32
      %dma_start3A_608 = tpu.memref_slice %arg6[%dma_start3A_594, %dma_start3A_606, %dma_start3A_607] : memref<5x128x128xf32, #tpu.memory_space<vmem>> -> memref<1x128x128xf32, #tpu.memory_space<vmem>>
      %dma_start3A_609 = tpu.memref_squeeze %dma_start3A_608 : memref<1x128x128xf32, #tpu.memory_space<vmem>> -> memref<128x128xf32, #tpu.memory_space<vmem>>
      tpu.enqueue_dma source(%dma_start3A_609 : memref<128x128xf32, #tpu.memory_space<vmem>>) target(%dma_start3A_605 : memref<128x128xf32, #tpu.memory_space<hbm>>) target_semaphore(%dma_start3A_603 : memref<!tpu.dma_semaphore, #tpu.memory_space<semaphore_mem>>)
      %sub3A_610 = arith.constant 2 : i32
      %sub3A_611 = arith.subi %add3A_576, %sub3A_610 : i32
      %mul3A_612 = arith.constant 128 : i32
      %mul3A_613 = arith.muli %sub3A_611, %mul3A_612 : i32
      %add3A_614 = arith.addi %mul3A_2, %mul3A_613 : i32
      %dma_wait3A_615 = arith.constant 1 : i32
      %dma_wait3A_616 = arith.constant 1 : i32
      %dma_wait3A_617 = arith.constant 0 : i32
      %dma_wait3A_618 = arith.constant 0 : i32
      %dma_wait3A_619 = tpu.memref_slice %arg6[%dma_wait3A_615, %dma_wait3A_617, %dma_wait3A_618] : memref<5x128x128xf32, #tpu.memory_space<vmem>> -> memref<1x128x128xf32, #tpu.memory_space<vmem>>
      %dma_wait3A_620 = tpu.memref_squeeze %dma_wait3A_619 : memref<1x128x128xf32, #tpu.memory_space<vmem>> -> memref<128x128xf32, #tpu.memory_space<vmem>>
      %dma_wait3A_621 = arith.constant 0 : i32
      %dma_wait3A_622 = tpu.memref_slice %arg4[%add3A_614, %dma_wait3A_621] : memref<204800x128xf32, #tpu.memory_space<hbm>> -> memref<128x128xf32, #tpu.memory_space<hbm>>
      %dma_wait3A_623 = tpu.memref_slice %arg8[%dma_wait3A_616] : memref<5x!tpu.dma_semaphore, #tpu.memory_space<semaphore_mem>> -> memref<1x!tpu.dma_semaphore, #tpu.memory_space<semaphore_mem>>
      %dma_wait3A_624 = tpu.memref_squeeze %dma_wait3A_623 : memref<1x!tpu.dma_semaphore, #tpu.memory_space<semaphore_mem>> -> memref<!tpu.dma_semaphore, #tpu.memory_space<semaphore_mem>>
      %dma_wait3A_625 = arith.constant 0 : i32
      %dma_wait3A_626 = tpu.memref_slice %arg4[%add3A_614, %dma_wait3A_625] : memref<204800x128xf32, #tpu.memory_space<hbm>> -> memref<128x128xf32, #tpu.memory_space<hbm>>
      %dma_wait3A_627 = arith.constant 0 : i32
      %dma_wait3A_628 = arith.constant 0 : i32
      %dma_wait3A_629 = tpu.memref_slice %arg6[%dma_wait3A_615, %dma_wait3A_627, %dma_wait3A_628] : memref<5x128x128xf32, #tpu.memory_space<vmem>> -> memref<1x128x128xf32, #tpu.memory_space<vmem>>
      %dma_wait3A_630 = tpu.memref_squeeze %dma_wait3A_629 : memref<1x128x128xf32, #tpu.memory_space<vmem>> -> memref<128x128xf32, #tpu.memory_space<vmem>>
      tpu.wait_dma2 semaphore(%dma_wait3A_624 : memref<!tpu.dma_semaphore, #tpu.memory_space<semaphore_mem>>) src(%dma_wait3A_630 : memref<128x128xf32, #tpu.memory_space<vmem>>) dst(%dma_wait3A_626 : memref<128x128xf32, #tpu.memory_space<hbm>>)
      %add3A_631 = arith.constant 3 : i32
      %add3A_632 = arith.addi %add3A_576, %add3A_631 : i32
      %lt3A_633 = arith.constant 50 : i32
      %lt3A_634 = arith.cmpi slt, %add3A_632, %lt3A_633 : i32
      %convert_element_type3A_635 = arith.extui %lt3A_634 : i1 to i32
      %cond3A_636 = arith.constant 0 : i32
      %cond3A_637 = arith.cmpi ne, %convert_element_type3A_635, %cond3A_636 : i32
      scf.if %cond3A_637 {
        %add3A_703 = arith.constant 3 : i32
        %add3A_704 = arith.addi %add3A_576, %add3A_703 : i32
        %dma_start3A_705 = arith.constant 1 : i32
        %dma_start3A_706 = arith.constant 1 : i32
        %dma_start3A_707 = arith.constant 0 : i32
        %dma_start3A_708 = arith.constant 0 : i32
        %dma_start3A_709 = tpu.memref_slice %arg6[%dma_start3A_705, %dma_start3A_707, %dma_start3A_708] : memref<5x128x128xf32, #tpu.memory_space<vmem>> -> memref<1x128x128xf32, #tpu.memory_space<vmem>>
        %dma_start3A_710 = tpu.memref_squeeze %dma_start3A_709 : memref<1x128x128xf32, #tpu.memory_space<vmem>> -> memref<128x128xf32, #tpu.memory_space<vmem>>
        %dma_start3A_711 = arith.constant 0 : i32
        %dma_start3A_712 = tpu.memref_slice %arg5[%add3A_704, %dma_start3A_711] : memref<50x128xi32, #tpu.memory_space<vmem>> -> memref<1x128xi32, #tpu.memory_space<vmem>>
        %dma_start3A_713 = tpu.memref_squeeze %dma_start3A_712 : memref<1x128xi32, #tpu.memory_space<vmem>> -> memref<128xi32, #tpu.memory_space<vmem>>
        %dma_start3A_714 = arith.constant 0 : i32
        %dma_start3A_715 = arith.constant 0 : i32
        %dma_start3A_716 = tpu.memref_slice %arg3[%dma_start3A_714, %dma_start3A_715] : memref<100000x128xf32, #tpu.memory_space<hbm>> -> memref<100000x128xf32, #tpu.memory_space<hbm>>
        %dma_start3A_717 = tpu.memref_slice %arg7[%dma_start3A_706] : memref<5x!tpu.dma_semaphore, #tpu.memory_space<semaphore_mem>> -> memref<1x!tpu.dma_semaphore, #tpu.memory_space<semaphore_mem>>
        %dma_start3A_718 = tpu.memref_squeeze %dma_start3A_717 : memref<1x!tpu.dma_semaphore, #tpu.memory_space<semaphore_mem>> -> memref<!tpu.dma_semaphore, #tpu.memory_space<semaphore_mem>>
        tpu.enqueue_indirect_dma source(%dma_start3A_716 : memref<100000x128xf32, #tpu.memory_space<hbm>>) target(%dma_start3A_710 : memref<128x128xf32, #tpu.memory_space<vmem>>) offsets(%dma_start3A_713 : memref<128xi32, #tpu.memory_space<vmem>>) semaphore(%dma_start3A_718 : memref<!tpu.dma_semaphore, #tpu.memory_space<semaphore_mem>>)
      } else {
      }
      %mul3A_638 = arith.constant 5 : i32
      %mul3A_639 = arith.muli %scan3A_381, %mul3A_638 : i32
      %add3A_640 = arith.constant 4 : i32
      %add3A_641 = arith.addi %mul3A_639, %add3A_640 : i32
      %dma_wait3A_642 = arith.constant 4 : i32
      %dma_wait3A_643 = arith.constant 4 : i32
      %dma_wait3A_644 = arith.constant 0 : i32
      %dma_wait3A_645 = arith.constant 0 : i32
      %dma_wait3A_646 = tpu.memref_slice %arg6[%dma_wait3A_642, %dma_wait3A_644, %dma_wait3A_645] : memref<5x128x128xf32, #tpu.memory_space<vmem>> -> memref<1x128x128xf32, #tpu.memory_space<vmem>>
      %dma_wait3A_647 = tpu.memref_squeeze %dma_wait3A_646 : memref<1x128x128xf32, #tpu.memory_space<vmem>> -> memref<128x128xf32, #tpu.memory_space<vmem>>
      %dma_wait3A_648 = arith.constant 0 : i32
      %dma_wait3A_649 = tpu.memref_slice %arg5[%add3A_641, %dma_wait3A_648] : memref<50x128xi32, #tpu.memory_space<vmem>> -> memref<1x128xi32, #tpu.memory_space<vmem>>
      %dma_wait3A_650 = tpu.memref_squeeze %dma_wait3A_649 : memref<1x128xi32, #tpu.memory_space<vmem>> -> memref<128xi32, #tpu.memory_space<vmem>>
      %dma_wait3A_651 = arith.constant 0 : i32
      %dma_wait3A_652 = arith.constant 0 : i32
      %dma_wait3A_653 = tpu.memref_slice %arg3[%dma_wait3A_651, %dma_wait3A_652] : memref<100000x128xf32, #tpu.memory_space<hbm>> -> memref<100000x128xf32, #tpu.memory_space<hbm>>
      %dma_wait3A_654 = tpu.memref_slice %arg7[%dma_wait3A_643] : memref<5x!tpu.dma_semaphore, #tpu.memory_space<semaphore_mem>> -> memref<1x!tpu.dma_semaphore, #tpu.memory_space<semaphore_mem>>
      %dma_wait3A_655 = tpu.memref_squeeze %dma_wait3A_654 : memref<1x!tpu.dma_semaphore, #tpu.memory_space<semaphore_mem>> -> memref<!tpu.dma_semaphore, #tpu.memory_space<semaphore_mem>>
      tpu.wait_indirect_dma semaphore(%dma_wait3A_655 : memref<!tpu.dma_semaphore, #tpu.memory_space<semaphore_mem>>) src(%dma_wait3A_653 : memref<100000x128xf32, #tpu.memory_space<hbm>>) dst(%dma_wait3A_647 : memref<128x128xf32, #tpu.memory_space<vmem>>)
      %mul3A_656 = arith.constant 128 : i32
      %mul3A_657 = arith.muli %add3A_641, %mul3A_656 : i32
      %add3A_658 = arith.addi %mul3A_2, %mul3A_657 : i32
      %dma_start3A_659 = arith.constant 4 : i32
      %dma_start3A_660 = arith.constant 4 : i32
      %dma_start3A_661 = arith.constant 0 : i32
      %dma_start3A_662 = arith.constant 0 : i32
      %dma_start3A_663 = tpu.memref_slice %arg6[%dma_start3A_659, %dma_start3A_661, %dma_start3A_662] : memref<5x128x128xf32, #tpu.memory_space<vmem>> -> memref<1x128x128xf32, #tpu.memory_space<vmem>>
      %dma_start3A_664 = tpu.memref_squeeze %dma_start3A_663 : memref<1x128x128xf32, #tpu.memory_space<vmem>> -> memref<128x128xf32, #tpu.memory_space<vmem>>
      %dma_start3A_665 = arith.constant 0 : i32
      %dma_start3A_666 = tpu.memref_slice %arg4[%add3A_658, %dma_start3A_665] : memref<204800x128xf32, #tpu.memory_space<hbm>> -> memref<128x128xf32, #tpu.memory_space<hbm>>
      %dma_start3A_667 = tpu.memref_slice %arg8[%dma_start3A_660] : memref<5x!tpu.dma_semaphore, #tpu.memory_space<semaphore_mem>> -> memref<1x!tpu.dma_semaphore, #tpu.memory_space<semaphore_mem>>
      %dma_start3A_668 = tpu.memref_squeeze %dma_start3A_667 : memref<1x!tpu.dma_semaphore, #tpu.memory_space<semaphore_mem>> -> memref<!tpu.dma_semaphore, #tpu.memory_space<semaphore_mem>>
      %dma_start3A_669 = arith.constant 0 : i32
      %dma_start3A_670 = tpu.memref_slice %arg4[%add3A_658, %dma_start3A_669] : memref<204800x128xf32, #tpu.memory_space<hbm>> -> memref<128x128xf32, #tpu.memory_space<hbm>>
      %dma_start3A_671 = arith.constant 0 : i32
      %dma_start3A_672 = arith.constant 0 : i32
      %dma_start3A_673 = tpu.memref_slice %arg6[%dma_start3A_659, %dma_start3A_671, %dma_start3A_672] : memref<5x128x128xf32, #tpu.memory_space<vmem>> -> memref<1x128x128xf32, #tpu.memory_space<vmem>>
      %dma_start3A_674 = tpu.memref_squeeze %dma_start3A_673 : memref<1x128x128xf32, #tpu.memory_space<vmem>> -> memref<128x128xf32, #tpu.memory_space<vmem>>
      tpu.enqueue_dma source(%dma_start3A_674 : memref<128x128xf32, #tpu.memory_space<vmem>>) target(%dma_start3A_670 : memref<128x128xf32, #tpu.memory_space<hbm>>) target_semaphore(%dma_start3A_668 : memref<!tpu.dma_semaphore, #tpu.memory_space<semaphore_mem>>)
      %sub3A_675 = arith.constant 2 : i32
      %sub3A_676 = arith.subi %add3A_641, %sub3A_675 : i32
      %mul3A_677 = arith.constant 128 : i32
      %mul3A_678 = arith.muli %sub3A_676, %mul3A_677 : i32
      %add3A_679 = arith.addi %mul3A_2, %mul3A_678 : i32
      %dma_wait3A_680 = arith.constant 2 : i32
      %dma_wait3A_681 = arith.constant 2 : i32
      %dma_wait3A_682 = arith.constant 0 : i32
      %dma_wait3A_683 = arith.constant 0 : i32
      %dma_wait3A_684 = tpu.memref_slice %arg6[%dma_wait3A_680, %dma_wait3A_682, %dma_wait3A_683] : memref<5x128x128xf32, #tpu.memory_space<vmem>> -> memref<1x128x128xf32, #tpu.memory_space<vmem>>
      %dma_wait3A_685 = tpu.memref_squeeze %dma_wait3A_684 : memref<1x128x128xf32, #tpu.memory_space<vmem>> -> memref<128x128xf32, #tpu.memory_space<vmem>>
      %dma_wait3A_686 = arith.constant 0 : i32
      %dma_wait3A_687 = tpu.memref_slice %arg4[%add3A_679, %dma_wait3A_686] : memref<204800x128xf32, #tpu.memory_space<hbm>> -> memref<128x128xf32, #tpu.memory_space<hbm>>
      %dma_wait3A_688 = tpu.memref_slice %arg8[%dma_wait3A_681] : memref<5x!tpu.dma_semaphore, #tpu.memory_space<semaphore_mem>> -> memref<1x!tpu.dma_semaphore, #tpu.memory_space<semaphore_mem>>
      %dma_wait3A_689 = tpu.memref_squeeze %dma_wait3A_688 : memref<1x!tpu.dma_semaphore, #tpu.memory_space<semaphore_mem>> -> memref<!tpu.dma_semaphore, #tpu.memory_space<semaphore_mem>>
      %dma_wait3A_690 = arith.constant 0 : i32
      %dma_wait3A_691 = tpu.memref_slice %arg4[%add3A_679, %dma_wait3A_690] : memref<204800x128xf32, #tpu.memory_space<hbm>> -> memref<128x128xf32, #tpu.memory_space<hbm>>
      %dma_wait3A_692 = arith.constant 0 : i32
      %dma_wait3A_693 = arith.constant 0 : i32
      %dma_wait3A_694 = tpu.memref_slice %arg6[%dma_wait3A_680, %dma_wait3A_692, %dma_wait3A_693] : memref<5x128x128xf32, #tpu.memory_space<vmem>> -> memref<1x128x128xf32, #tpu.memory_space<vmem>>
      %dma_wait3A_695 = tpu.memref_squeeze %dma_wait3A_694 : memref<1x128x128xf32, #tpu.memory_space<vmem>> -> memref<128x128xf32, #tpu.memory_space<vmem>>
      tpu.wait_dma2 semaphore(%dma_wait3A_689 : memref<!tpu.dma_semaphore, #tpu.memory_space<semaphore_mem>>) src(%dma_wait3A_695 : memref<128x128xf32, #tpu.memory_space<vmem>>) dst(%dma_wait3A_691 : memref<128x128xf32, #tpu.memory_space<hbm>>)
      %add3A_696 = arith.constant 3 : i32
      %add3A_697 = arith.addi %add3A_641, %add3A_696 : i32
      %lt3A_698 = arith.constant 50 : i32
      %lt3A_699 = arith.cmpi slt, %add3A_697, %lt3A_698 : i32
      %convert_element_type3A_700 = arith.extui %lt3A_699 : i1 to i32
      %cond3A_701 = arith.constant 0 : i32
      %cond3A_702 = arith.cmpi ne, %convert_element_type3A_700, %cond3A_701 : i32
      scf.if %cond3A_702 {
        %add3A_703 = arith.constant 3 : i32
        %add3A_704 = arith.addi %add3A_641, %add3A_703 : i32
        %dma_start3A_705 = arith.constant 2 : i32
        %dma_start3A_706 = arith.constant 2 : i32
        %dma_start3A_707 = arith.constant 0 : i32
        %dma_start3A_708 = arith.constant 0 : i32
        %dma_start3A_709 = tpu.memref_slice %arg6[%dma_start3A_705, %dma_start3A_707, %dma_start3A_708] : memref<5x128x128xf32, #tpu.memory_space<vmem>> -> memref<1x128x128xf32, #tpu.memory_space<vmem>>
        %dma_start3A_710 = tpu.memref_squeeze %dma_start3A_709 : memref<1x128x128xf32, #tpu.memory_space<vmem>> -> memref<128x128xf32, #tpu.memory_space<vmem>>
        %dma_start3A_711 = arith.constant 0 : i32
        %dma_start3A_712 = tpu.memref_slice %arg5[%add3A_704, %dma_start3A_711] : memref<50x128xi32, #tpu.memory_space<vmem>> -> memref<1x128xi32, #tpu.memory_space<vmem>>
        %dma_start3A_713 = tpu.memref_squeeze %dma_start3A_712 : memref<1x128xi32, #tpu.memory_space<vmem>> -> memref<128xi32, #tpu.memory_space<vmem>>
        %dma_start3A_714 = arith.constant 0 : i32
        %dma_start3A_715 = arith.constant 0 : i32
        %dma_start3A_716 = tpu.memref_slice %arg3[%dma_start3A_714, %dma_start3A_715] : memref<100000x128xf32, #tpu.memory_space<hbm>> -> memref<100000x128xf32, #tpu.memory_space<hbm>>
        %dma_start3A_717 = tpu.memref_slice %arg7[%dma_start3A_706] : memref<5x!tpu.dma_semaphore, #tpu.memory_space<semaphore_mem>> -> memref<1x!tpu.dma_semaphore, #tpu.memory_space<semaphore_mem>>
        %dma_start3A_718 = tpu.memref_squeeze %dma_start3A_717 : memref<1x!tpu.dma_semaphore, #tpu.memory_space<semaphore_mem>> -> memref<!tpu.dma_semaphore, #tpu.memory_space<semaphore_mem>>
        tpu.enqueue_indirect_dma source(%dma_start3A_716 : memref<100000x128xf32, #tpu.memory_space<hbm>>) target(%dma_start3A_710 : memref<128x128xf32, #tpu.memory_space<vmem>>) offsets(%dma_start3A_713 : memref<128xi32, #tpu.memory_space<vmem>>) semaphore(%dma_start3A_718 : memref<!tpu.dma_semaphore, #tpu.memory_space<semaphore_mem>>)
      } else {
      }
    }
    %scan3A_344 = arith.constant 9 : i32
    %add3A_345 = arith.constant 6144 : i32
    %add3A_346 = arith.addi %mul3A_2, %add3A_345 : i32
    %dma_wait3A_347 = arith.constant 3 : i32
    %dma_wait3A_348 = arith.constant 3 : i32
    %dma_wait3A_349 = arith.constant 0 : i32
    %dma_wait3A_350 = arith.constant 0 : i32
    %dma_wait3A_351 = tpu.memref_slice %arg6[%dma_wait3A_347, %dma_wait3A_349, %dma_wait3A_350] : memref<5x128x128xf32, #tpu.memory_space<vmem>> -> memref<1x128x128xf32, #tpu.memory_space<vmem>>
    %dma_wait3A_352 = tpu.memref_squeeze %dma_wait3A_351 : memref<1x128x128xf32, #tpu.memory_space<vmem>> -> memref<128x128xf32, #tpu.memory_space<vmem>>
    %dma_wait3A_353 = arith.constant 0 : i32
    %dma_wait3A_354 = tpu.memref_slice %arg4[%add3A_346, %dma_wait3A_353] : memref<204800x128xf32, #tpu.memory_space<hbm>> -> memref<128x128xf32, #tpu.memory_space<hbm>>
    %dma_wait3A_355 = tpu.memref_slice %arg8[%dma_wait3A_348] : memref<5x!tpu.dma_semaphore, #tpu.memory_space<semaphore_mem>> -> memref<1x!tpu.dma_semaphore, #tpu.memory_space<semaphore_mem>>
    %dma_wait3A_356 = tpu.memref_squeeze %dma_wait3A_355 : memref<1x!tpu.dma_semaphore, #tpu.memory_space<semaphore_mem>> -> memref<!tpu.dma_semaphore, #tpu.memory_space<semaphore_mem>>
    %dma_wait3A_357 = arith.constant 0 : i32
    %dma_wait3A_358 = tpu.memref_slice %arg4[%add3A_346, %dma_wait3A_357] : memref<204800x128xf32, #tpu.memory_space<hbm>> -> memref<128x128xf32, #tpu.memory_space<hbm>>
    %dma_wait3A_359 = arith.constant 0 : i32
    %dma_wait3A_360 = arith.constant 0 : i32
    %dma_wait3A_361 = tpu.memref_slice %arg6[%dma_wait3A_347, %dma_wait3A_359, %dma_wait3A_360] : memref<5x128x128xf32, #tpu.memory_space<vmem>> -> memref<1x128x128xf32, #tpu.memory_space<vmem>>
    %dma_wait3A_362 = tpu.memref_squeeze %dma_wait3A_361 : memref<1x128x128xf32, #tpu.memory_space<vmem>> -> memref<128x128xf32, #tpu.memory_space<vmem>>
    tpu.wait_dma2 semaphore(%dma_wait3A_356 : memref<!tpu.dma_semaphore, #tpu.memory_space<semaphore_mem>>) src(%dma_wait3A_362 : memref<128x128xf32, #tpu.memory_space<vmem>>) dst(%dma_wait3A_358 : memref<128x128xf32, #tpu.memory_space<hbm>>)
    %add3A_363 = arith.constant 6272 : i32
    %add3A_364 = arith.addi %mul3A_2, %add3A_363 : i32
    %dma_wait3A_365 = arith.constant 4 : i32
    %dma_wait3A_366 = arith.constant 4 : i32
    %dma_wait3A_367 = arith.constant 0 : i32
    %dma_wait3A_368 = arith.constant 0 : i32
    %dma_wait3A_369 = tpu.memref_slice %arg6[%dma_wait3A_365, %dma_wait3A_367, %dma_wait3A_368] : memref<5x128x128xf32, #tpu.memory_space<vmem>> -> memref<1x128x128xf32, #tpu.memory_space<vmem>>
    %dma_wait3A_370 = tpu.memref_squeeze %dma_wait3A_369 : memref<1x128x128xf32, #tpu.memory_space<vmem>> -> memref<128x128xf32, #tpu.memory_space<vmem>>
    %dma_wait3A_371 = arith.constant 0 : i32
    %dma_wait3A_372 = tpu.memref_slice %arg4[%add3A_364, %dma_wait3A_371] : memref<204800x128xf32, #tpu.memory_space<hbm>> -> memref<128x128xf32, #tpu.memory_space<hbm>>
    %dma_wait3A_373 = tpu.memref_slice %arg8[%dma_wait3A_366] : memref<5x!tpu.dma_semaphore, #tpu.memory_space<semaphore_mem>> -> memref<1x!tpu.dma_semaphore, #tpu.memory_space<semaphore_mem>>
    %dma_wait3A_374 = tpu.memref_squeeze %dma_wait3A_373 : memref<1x!tpu.dma_semaphore, #tpu.memory_space<semaphore_mem>> -> memref<!tpu.dma_semaphore, #tpu.memory_space<semaphore_mem>>
    %dma_wait3A_375 = arith.constant 0 : i32
    %dma_wait3A_376 = tpu.memref_slice %arg4[%add3A_364, %dma_wait3A_375] : memref<204800x128xf32, #tpu.memory_space<hbm>> -> memref<128x128xf32, #tpu.memory_space<hbm>>
    %dma_wait3A_377 = arith.constant 0 : i32
    %dma_wait3A_378 = arith.constant 0 : i32
    %dma_wait3A_379 = tpu.memref_slice %arg6[%dma_wait3A_365, %dma_wait3A_377, %dma_wait3A_378] : memref<5x128x128xf32, #tpu.memory_space<vmem>> -> memref<1x128x128xf32, #tpu.memory_space<vmem>>
    %dma_wait3A_380 = tpu.memref_squeeze %dma_wait3A_379 : memref<1x128x128xf32, #tpu.memory_space<vmem>> -> memref<128x128xf32, #tpu.memory_space<vmem>>
    tpu.wait_dma2 semaphore(%dma_wait3A_374 : memref<!tpu.dma_semaphore, #tpu.memory_space<semaphore_mem>>) src(%dma_wait3A_380 : memref<128x128xf32, #tpu.memory_space<vmem>>) dst(%dma_wait3A_376 : memref<128x128xf32, #tpu.memory_space<hbm>>)
    return
  }
}

</mosaic_0001>

<sc_bundles>
// kernel: _gather.3.cloned.1.call-start
scs
__scs_entry_jumppad:
0x0: {  	(pc) =	sbr.rel $0x88, $3  }
0x1: {  	(tag) =	ssettag $0x0;
	lr =	simm.s32 $0x1  }
0x2: {  	[smem:$0x3F9F] =	sst lr;
	_ =	strace $0xD0000000  }
0x3: {  	_ = 	snop  }
0x4: {  	_ = 	snop  }
0x5: {  	_ = 	snop  }
0x6: {  	_ = 	snop  }
0x7: {  	_ = 	snop  }
__scs_overlays_trampoline_lowered:
0x8: {  	[smem:$0x3FAE] =	sst s0  }
0x9: {  	[smem:$0x3FAF] =	sst s1  }
0xa: {  	[smem:$0x3FB0] =	sst s2  }
0xb: {  	[smem:$0x3FB1] =	sst s3  }
0xc: {  	[smem:$0x3FB2] =	sst s4  }
0xd: {  	[smem:$0x3FB3] =	sst s5  }
0xe: {  	[smem:$0x3FB4] =	sst s6  }
0xf: {  	[smem:$0x3FB5] =	sst s7  }
0x10: {  	[smem:$0x3FB6] =	sst s8  }
0x11: {  	[smem:$0x3FB7] =	sst s9;
	s0 =	simm.s32 @!p0 $0x0  }
0x12: {  	s1 =	sld [smem:$0x3F9D];
	s0 =	simm.s32 @p0 $0x1  }
0x13: {  	[smem:$0x3FB8] =	sst s0;
	s0 =	simm.s32 @!p1 $0x0  }
0x14: {  	s2 =	sld [smem:$0x3F9C];
	s0 =	simm.s32 @p1 $0x1  }
0x15: {  	[smem:$0x3FB9] =	sst s0;
	s0 =	simm.s32 @!p2 $0x0  }
0x16: {  	s3 =	sld [smem:$0x3FDB];
	s0 =	simm.s32 @p2 $0x1  }
0x17: {  	s4 =	simm.s32 $0x1BF5;
	[smem:$0x3FBB] =	sst s0  }
0x18: {  	s0 =	sld [smem:$0x3F9E];
	_ =	swait.ge [sflag:s4], $0x0  }
0x19: {  	s7 =	sld [smem:$0x3F9F]  }
0x1a: {  	s8 =	sadd.s32 $0xFFFFE003, lr  }
0x1b: {  	s9 =	sadd.s32 $0xFFFFFEF7, lr;
	s5 =	simm.s32 $0xFFFFFFFF;
	p2 =	slt.u32 s8, $0xFFFFF086  }
0x1c: {  	p1 =	slt.u32 s9, $0xF7A;
	s5 =	simm.s32 @!p2 $0x0  }
0x1d: {  	s5 =	simm.s32 @p1 $0x1;
	p0 =	seq.s32 s7, s2  }
0x1e: {  	s7 =	smul.u32 @!p0 $0xF7A, s2;
	p2 =	seq.s32 @!p0 s5, $0x0  }
0x1f: {  	s9 =	smul.u32 $0xF7A, s1;
	s8 =	simm.s32 @!p0 $0x1BF5;
	p2 =	por !p2, p0  }
0x20: {  	[sflag:s8] =	ssyncset.s32 @!p0 $0xFFFFF086;
	s6 =	sadd.s32 @!p0 s3, s7;
	s7 =	simm.s32 @!p0 $0x108  }
0x21: {  	s3 =	sadd.s32 s3, s9;
	s6 =	sadd.s32 @!p0 $0x88, s6;
	s7 =	simm.s32 @p2 $0x1082  }
0x22: {  	[simem:s7], [sflag:s8] =	dma.local @!p0 [hbm:s6], $0xF7A  }
0x23: {  	s9 =	sor.u32 $0xD0000000, s2;
	s6 =	simm.s32 $0x108;
	_ =	swait.ge @!p0 [sflag:s8], $0x0  }
0x24: {  	s3 =	sadd.s32 $0x88, s3;
	s6 =	simm.s32 @!p1 $0x1082;
	[sflag:s4] =	ssyncset.s32 $0xFFFFF086  }
0x25: {  	[simem:s6], [sflag:s4] =	dma.local [hbm:s3], $0xF7A  }
0x26: {  	[smem:$0x3F9F] =	sst s1;
	(tag) =	ssettag s2;
	_ =	strace s9  }
0x27: {  	s1 =	sld [smem:$0x3FAF]  }
0x28: {  	s2 =	sld [smem:$0x3FB0]  }
0x29: {  	s4 =	sld [smem:$0x3FB2]  }
0x2a: {  	p0 =	seq.s32 s5, $0x0;
	s5 =	sld [smem:$0x3FB3]  }
0x2b: {  	s6 =	sld [smem:$0x3FB4]  }
0x2c: {  	s7 =	sld [smem:$0x3FB5]  }
0x2d: {  	s3 =	simm.s32 $0x108;
	s8 =	sld [smem:$0x3FB6]  }
0x2e: {  	s3 =	simm.s32 @!p0 $0x1082;
	s9 =	sld [smem:$0x3FB7]  }
0x2f: {  	lr =	sadd.s32 s0, s3;
	s0 =	sld [smem:$0x3FAE]  }
0x30: {  	s3 =	sld [smem:$0x3FB1]  }
0x31: {  	[smem:$0x3FBA] =	sst s10  }
0x32: {  	s10 =	sld [smem:$0x3FB8];
	_ =	sdelay $0x3  }
0x33: {  	p0 =	seq.s32 s10, $0x1;
	s10 =	sld [smem:$0x3FBA];
	_ =	sdelay $0x3  }
0x34: {  	[smem:$0x3FBA] =	sst s10  }
0x35: {  	s10 =	sld [smem:$0x3FB9];
	_ =	sdelay $0x3  }
0x36: {  	p1 =	seq.s32 s10, $0x1;
	s10 =	sld [smem:$0x3FBA];
	_ =	sdelay $0x3  }
0x37: {  	[smem:$0x3FBA] =	sst s10  }
0x38: {  	s10 =	sld [smem:$0x3FBB]  }
0x39: {  	_ = 	snop;
	(pc) =	sbr.ind lr, $3  }
0x3a: {  	_ = 	snop  }
0x3b: {  	_ = 	snop  }
0x3c: {  	p2 =	seq.s32 s10, $0x1;
	s10 =	sld [smem:$0x3FBA]  }
0x3d: {  	_ =	shalt  }
0x3e: {  	_ =	shalt  }
0x3f: {  	_ =	shalt  }
0x40: {  	_ =	shalt  }
0x41: {  	_ =	shalt  }
0x42: {  	_ =	shalt  }
0x43: {  	_ =	shalt  }
0x44: {  	_ =	shalt  }
0x45: {  	_ =	shalt  }
0x46: {  	_ =	shalt  }
0x47: {  	_ =	shalt  }
0x48: {  	_ =	shalt  }
0x49: {  	_ =	shalt  }
0x4a: {  	_ =	shalt  }
0x4b: {  	_ =	shalt  }
0x4c: {  	_ =	shalt  }
0x4d: {  	_ =	shalt  }
0x4e: {  	_ =	shalt  }
0x4f: {  	_ =	shalt  }
0x50: {  	_ =	shalt  }
0x51: {  	_ =	shalt  }
0x52: {  	_ =	shalt  }
0x53: {  	_ =	shalt  }
0x54: {  	_ =	shalt  }
0x55: {  	_ =	shalt  }
0x56: {  	_ =	shalt  }
0x57: {  	_ =	shalt  }
0x58: {  	_ =	shalt  }
0x59: {  	_ =	shalt  }
0x5a: {  	_ =	shalt  }
0x5b: {  	_ =	shalt  }
0x5c: {  	_ =	shalt  }
0x5d: {  	_ =	shalt  }
0x5e: {  	_ =	shalt  }
0x5f: {  	_ =	shalt  }
0x60: {  	_ =	shalt  }
0x61: {  	_ =	shalt  }
0x62: {  	_ =	shalt  }
0x63: {  	_ =	shalt  }
0x64: {  	_ =	shalt  }
0x65: {  	_ =	shalt  }
0x66: {  	_ =	shalt  }
0x67: {  	_ =	shalt  }
0x68: {  	_ =	shalt  }
0x69: {  	_ =	shalt  }
0x6a: {  	_ =	shalt  }
0x6b: {  	_ =	shalt  }
0x6c: {  	_ =	shalt  }
0x6d: {  	_ =	shalt  }
0x6e: {  	_ =	shalt  }
0x6f: {  	_ =	shalt  }
0x70: {  	_ =	shalt  }
0x71: {  	_ =	shalt  }
0x72: {  	_ =	shalt  }
0x73: {  	_ =	shalt  }
0x74: {  	_ =	shalt  }
0x75: {  	_ =	shalt  }
0x76: {  	_ =	shalt  }
0x77: {  	_ =	shalt  }
0x78: {  	_ =	shalt  }
0x79: {  	_ =	shalt  }
0x7a: {  	_ =	shalt  }
0x7b: {  	_ =	shalt  }
0x7c: {  	_ =	shalt  }
0x7d: {  	_ =	shalt  }
0x7e: {  	_ =	shalt  }
0x7f: {  	_ =	shalt  }
0x80: {  	_ =	shalt  }
0x81: {  	_ =	shalt  }
0x82: {  	_ =	shalt  }
0x83: {  	_ =	shalt  }
0x84: {  	_ =	shalt  }
0x85: {  	_ =	shalt  }
0x86: {  	_ =	shalt  }
0x87: {  	_ =	shalt  }
.Lfunc_end0:
.L_simem_size_0:
called_computation_lowered:
.L_overlay_start_0:
0x88: {  	s2 =	sld [smem:$0x3FD9]  }
0x89: {  	s3 =	sld [smem:$0x3FFE];
	_ =	sdelay $0x1  }
0x8a: {  	s1 =	srdreg.scid  }
0x8b: {  	s0 =	sand.u32 $0x1, s1  }
0x8c: {  	s17 =	sshll.u32 s0, $0xA;
	s2 =	sadd.s32 s3, s2  }
0x8d: {  	s2 =	sadd.s32 s2, s17  }
0x8e: {  	[smem:$0x3FC6] =	sst s2  }
0x8f: {  	_ = 	snop  }
0x90: {  	s2 =	sld [smem:$0x3FC8]  }
0x91: {  	s18 =	sld [smem:$0x3FD0];
	(tm) =	ssettm $0x1  }
0x92: {  	s4 =	sld [smem:$0x3FFB];
	_ =	sdelay $0x3  }
0x93: {  	_ =	strace s4  }
0x94: {  	s4 =	sld [smem:$0x3FFC];
	_ =	sdelay $0x3  }
0x95: {  	_ =	strace s4  }
0x96: {  	s4 =	sld [smem:$0x3FFD];
	_ =	sdelay $0x3  }
0x97: {  	_ =	strace s4  }
0x98: {  	_ =	strace $0x8FFFFFFF  }
0x99: {  	s19 =	sld [smem:$0x3FDB];
	_ =	sdelay $0x1  }
0x9a: {  	s5 =	simm.s32 $_scs_section_size  }
0x9b: {  	s6 =	simm.s32 $_size__tile_overlayer_lowered;
	s7 =	simm.s32 $_tile_overlayer_lowered  }
0x9c: {  	s22 =	simm.s32 $0x1BFF;
	s21 =	sshll.u32 s7, $0x1;
	s4 =	sadd.s32 s5, s19  }
0x9d: {  	s8 =	simm.s32 $0x0;
	s20 =	sshll.u32 s6, $0x1;
	s6 =	sadd.s32 s21, s4  }
0x9e: {  	[timem:s8], [sflag:s22] =	dma.local [hbm:s6], s20  }
0x9f: {  	_ =	swait.ge [sflag:s22], s20  }
0xa0: {  	s5 =	ssub.s32 $0x0, s20;
	[sflag:s22] =	ssyncset.done $0x0  }
0xa1: {  	[sflag:s22] =	ssyncadd.s32 s5;
	_ =	sdelay $0x1  }
0xa2: {  	s23 =	simm.s32 $0x1B8B  }
0xa3: {  	_ =	swait.ge [sflag:s23], $0x1  }
0xa4: {  	[sflag:s23] =	ssyncset.done $0x0  }
0xa5: {  	s25 =	simm.s32 $0x1B8E;
	s24 =	sld [smem:$0x3FFE];
	[sflag:s23] =	ssyncadd.s32 $0xFFFFFFFF  }
0xa6: {  	s26 =	simm.s32 $execute0_lowered;
	[smem:$0x3FD2] =	sst s25  }
0xa7: {  	s6 =	sshll.u32 s26, $0x1;
	_ =	strace $0x80000046;
	[dreg:$0x1] =	wrdreg $0xFFFFFFFF  }
0xa8: {  	s28 =	simm.s32 $_size_execute0_lowered;
	s4 =	sadd.s32 s4, s6;
	[dreg:$0x0] =	wrdreg $0x0  }
0xa9: {  	s6 =	sshll.u32 s28, $0x1;
	[dreg:$0x2] =	wrdreg s4  }
0xaa: {  	[dreg:$0x3] =	wrdreg s6  }
0xab: {  	[dreg:$0x4] =	wrdreg $0xC0  }
0xac: {  	_ =	task [dreg:s8], $0x5FFFF  }
0xad: {  	[dreg:$0x1] =	wrdreg $0xFFFFFFFF  }
0xae: {  	[dreg:$0x0] =	wrdreg $0x60  }
0xaf: {  	[dreg:$0x2] =	wrdreg s24  }
0xb0: {  	[dreg:$0x3] =	wrdreg s2  }
0xb1: {  	[dreg:$0x4] =	wrdreg s18  }
0xb2: {  	[dreg:$0x5] =	wrdreg $0x9  }
0xb3: {  	_ =	task.clear_ibuf [dreg:s8], $0x6FFFF;
	_ =	strace $0x90000046  }
0xb4: {  	s29 =	simm.s32 $0x9;
	_ =	strace $0x80000048  }
0xb5: {  	_ =	swait.ge [sflag:s29], $0x1  }
0xb6: {  	[sflag:s29] =	ssyncadd.s32 $0xFFFFFFFF  }
0xb7: {  	_ =	strace $0x90000048  }
0xb8: {  	_ =	sfence  }
0xb9: {  	s30 =	sld [smem:$0x0];
	_ =	sdelay $0x2  }
0xba: {  	s31 =	sshll.u32 s1, $0xD;
	s1 =	sshrl.u32 s1, $0x2  }
0xbb: {  	s3 =	sand.u32 $0x4000, s31;
	s1 =	sadd.s32 s1, s30  }
0xbc: {  	s0 =	sor.u32 s3, s0;
	s1 =	sshll.u32 s1, $0x11  }
0xbd: {  	s0 =	sor.u32 s1, s0  }
0xbe: {  	s0 =	sadd.s32 $0x8F2B, s0  }
0xbf: {  	[sflag:s0] =	ssyncadd.remote.s32 $0x1  }
0xc0: {  	_ =	sfence.sel $0xFFFF  }
0xc1: {  	[dreg:$0x0] =	wrdreg $0xFFFFFFFF;
	(pc) =	sbr.abs _section_cstart, $3  }
0xc2: {  	[dreg:$0x1] =	wrdreg $0xFFFFFFFF  }
0xc3: {  	_ =	task.clear_ibuf [dreg:s8], $0x2FFFF;
	_ =	strace $0x9FFFFFFF  }
0xc4: {  	(tm) =	ssettm $0x7FFFFFFF  }
0xc5: {  	_ =	shalt  }
tec
execute0_lowered:
.L_overlay_start_1:
0x0: {  	(tag) =	ssettag $0x1  }
0x1: {  	s0 =	rddreg [dreg:$0x0]  }
0x2: {  	s1 =	srdreg.scid;
	s2 =	rddreg [dreg:$0x1]  }
0x3: {  	s8 =	stileid.u32;
	s9 =	rddreg [dreg:$0x2]  }
0x4: {  	s4 =	simm.s32 $0x0;
	s15 =	simm.s32 $0xB;
	s16 =	simm.s32 $0x80  }
0x5: {  	s17 =	simm.s32 $0x1C00;
	s28 =	simm.s32 $0x3;
	s21 =	smul.u32 $0x190000, s8  }
0x6: {  	s29 =	simm.s32 $0x6;
	s1 =	sand.u32 $0x1, s1;
	s12 =	smul.u32 $0x32000, s8  }
0x7: {  	s31 =	simm.s32 $0x4;
	s3 =	sshll.u32 s8, $0x1;
	s22 =	smul.u32 $0xC8000, s1  }
0x8: {  	s30 =	simm.s32 $0xA;
	s3 =	sor.u32 s1, s3;
	s25 =	smul.u32 $0x19000, s1  }
0x9: {  	[smem:$0x7FF] =	sst s4;
	s6 =	ssub.s32 $0x2, s1;
	s5 =	smul.u32 $0x380, s3  }
0xa: {  	_ =	strace $0x80000047;
	s7 =	smul.u32 $0x19000, s3;
	s18 =	sshrl.u32 s6, $0x1  }
0xb: {  	s3 =	smul.u32 $0xC8000, s3;
	s26 =	sadd.s32 s22, s21;
	s12 =	sadd.s32 s25, s12  }
0xc: {  	s21 =	simm.s32 $0x1;
	s25 =	simm.s32 $0x9;
	s0 =	sadd.s32 s5, s0  }
0xd: {  	s5 =	ssub.s32 s6, s18;
	s19 =	sadd.s32 s9, s7;
	s20 =	sshrl.u32 s3, $0x3  }
0xe: {  	s3 =	sadd.s32 $0x24000, s26;
	s1 =	sadd.s32 $0x20000, s26;
	s18 =	simm.s32 $0x5C00  }
0xf: {  	s26 =	simm.s32 $0x11C00;
	s0 =	sadd.s32 $0x400, s0;
	[dreg:$0x5] =	wrdreg s19  }
0x10: {  	s6 =	sadd.s32 $0x800, s19;
	s11 =	smax.u32 s5, $0x1;
	s13 =	sshrl.u32 s3, $0x3  }
0x11: {  	s14 =	sshrl.u32 s1, $0x3;
	[dreg:$0x4] =	wrdreg s0;
	s0 =	sadd.s32 s9, s20  }
.Ltmp0:
0x12: {  	[dreg:$0x6] =	wrdreg s6;
	s23 =	sadd.s32 $0x1000, s0;
	(pc) =	sbr.rel .LBB2_1-.Ltmp0, $4  }
0x13: {  	s1 =	simm.s32 $0x7;
	s24 =	sadd.s32 $0x1800, s0;
	[dreg:$0x7] =	wrdreg s23  }
0x14: {  	s3 =	simm.s32 $0x5;
	s0 =	sadd.s32 $0x2000, s0;
	[dreg:$0x8] =	wrdreg s24  }
0x15: {  	s19 =	simm.s32 $0x8;
	s20 =	simm.s32 $0x9C00;
	[dreg:$0x9] =	wrdreg s0  }
0x16: {  	s23 =	simm.s32 $0xDC00;
	s24 =	simm.s32 $0x2;
	s0 =	simm.s32 $0x0  }
.LBB2_4:
0x17: {  	s0 =	sadd.s32 $0x1, s0  }
0x18: {  	_ =	swait.ge [sflag:s25], $0x4000;
	p0 =	sne.s32 s0, s11  }
.Ltmp1:
0x19: {  	[sflag:s25] =	ssyncset.done $0x0;
	(pc) =	sbr.rel @!p0 .LBB2_5-.Ltmp1, $4  }
0x1a: {  	[sflag:s25] =	ssyncadd.s32 $0xFFFFC000  }
0x1b: {  	_ =	swait.ge [sflag:s30], $0x4000  }
0x1c: {  	[sflag:s30] =	ssyncset.done $0x0  }
0x1d: {  	[sflag:s30] =	ssyncadd.s32 $0xFFFFC000  }
.LBB2_1:
0x1e: {  	s5 =	rddreg [dreg:$0x4]  }
0x1f: {  	[tilespmem:s4], [sflag:$0xB] =	stream.linear.gather [hbm4b:s5+s4], $0x1900, $0x38;
	[tilespmem:$0x15C00] =	vst v63  }
0x20: {  	_ =	swait.ge [sflag:s15], $0x1900  }
0x21: {  	[sflag:s15] =	ssyncset.done $0x0  }
0x22: {  	[sflag:s15] =	ssyncadd.s32 $0xFFFFE700  }
0x23: {  	[tilespmem:s17], [sflag:$0x1] =	stream.indirect.gather [hbm4b:s2+s16], $0x80, s4, s16, $0xb8;
	[tilespmem:$0x15C00] =	vst v63  }
0x24: {  	_ = 	snop  }
0x25: {  	[tilespmem:s18], [sflag:$0x2] =	stream.indirect.gather [hbm4b:s2+s16], $0x80, s16, s16, $0xb8;
	[tilespmem:$0x15C00] =	vst v63  }
0x26: {  	s7 =	simm.s32 $0x100  }
0x27: {  	[tilespmem:s20], [sflag:$0x3] =	stream.indirect.gather [hbm4b:s2+s16], $0x80, s7, s16, $0xb8;
	[tilespmem:$0x15C00] =	vst v63  }
0x28: {  	_ =	swait.ge [sflag:s21], $0x4000  }
0x29: {  	[sflag:s21] =	ssyncset.done $0x0  }
0x2a: {  	s8 =	rddreg [dreg:$0x5];
	[sflag:s21] =	ssyncadd.s32 $0xFFFFC000  }
0x2b: {  	[hbm4b:s8+s4] =	stream.linear.scatter [tilespmem:s17], [sflag:$0x6], $0x4000, $0x38;
	[tilespmem:$0x15C00] =	vst v63  }
0x2c: {  	s9 =	simm.s32 $0x180  }
0x2d: {  	[tilespmem:s23], [sflag:$0x4] =	stream.indirect.gather [hbm4b:s2+s16], $0x80, s9, s16, $0xb8;
	[tilespmem:$0x15C00] =	vst v63  }
0x2e: {  	_ =	swait.ge [sflag:s24], $0x4000  }
0x2f: {  	[sflag:s24] =	ssyncset.done $0x0  }
0x30: {  	s10 =	rddreg [dreg:$0x6];
	[sflag:s24] =	ssyncadd.s32 $0xFFFFC000  }
0x31: {  	[hbm4b:s10+s4] =	stream.linear.scatter [tilespmem:s18], [sflag:$0x7], $0x4000, $0x38;
	[tilespmem:$0x15C00] =	vst v63  }
0x32: {  	s22 =	simm.s32 $0x200  }
0x33: {  	[tilespmem:s26], [sflag:$0x5] =	stream.indirect.gather [hbm4b:s2+s16], $0x80, s22, s16, $0xb8;
	[tilespmem:$0x15C00] =	vst v63  }
0x34: {  	_ =	swait.ge [sflag:s28], $0x4000  }
0x35: {  	[sflag:s28] =	ssyncset.done $0x0  }
0x36: {  	s6 =	rddreg [dreg:$0x7];
	[sflag:s28] =	ssyncadd.s32 $0xFFFFC000  }
0x37: {  	[hbm4b:s6+s4] =	stream.linear.scatter [tilespmem:s20], [sflag:$0x8], $0x4000, $0x38;
	[tilespmem:$0x15C00] =	vst v63  }
0x38: {  	_ =	swait.ge [sflag:s29], $0x4000  }
0x39: {  	[sflag:s29] =	ssyncset.done $0x0  }
0x3a: {  	s7 =	simm.s32 $0x280;
	[sflag:s29] =	ssyncadd.s32 $0xFFFFC000  }
0x3b: {  	[tilespmem:s17], [sflag:$0x1] =	stream.indirect.gather [hbm4b:s2+s16], $0x80, s7, s16, $0xb8;
	[tilespmem:$0x15C00] =	vst v63  }
0x3c: {  	_ =	swait.ge [sflag:s31], $0x4000  }
0x3d: {  	[sflag:s31] =	ssyncset.done $0x0  }
0x3e: {  	s8 =	rddreg [dreg:$0x8];
	[sflag:s31] =	ssyncadd.s32 $0xFFFFC000  }
0x3f: {  	[hbm4b:s8+s4] =	stream.linear.scatter [tilespmem:s23], [sflag:$0x9], $0x4000, $0x38;
	[tilespmem:$0x15C00] =	vst v63  }
0x40: {  	_ =	swait.ge [sflag:s1], $0x4000  }
0x41: {  	[sflag:s1] =	ssyncset.done $0x0  }
0x42: {  	s9 =	simm.s32 $0x300;
	[sflag:s1] =	ssyncadd.s32 $0xFFFFC000  }
0x43: {  	[tilespmem:s18], [sflag:$0x2] =	stream.indirect.gather [hbm4b:s2+s16], $0x80, s9, s16, $0xb8;
	[tilespmem:$0x15C00] =	vst v63  }
0x44: {  	_ =	swait.ge [sflag:s3], $0x4000  }
0x45: {  	[sflag:s3] =	ssyncset.done $0x0  }
0x46: {  	s10 =	rddreg [dreg:$0x9];
	[sflag:s3] =	ssyncadd.s32 $0xFFFFC000  }
0x47: {  	[hbm4b:s10+s4] =	stream.linear.scatter [tilespmem:s26], [sflag:$0xA], $0x4000, $0x38;
	[tilespmem:$0x15C00] =	vst v63  }
0x48: {  	_ =	swait.ge [sflag:s19], $0x4000  }
0x49: {  	[sflag:s19] =	ssyncset.done $0x0  }
0x4a: {  	s22 =	simm.s32 $0x380;
	[sflag:s19] =	ssyncadd.s32 $0xFFFFC000  }
0x4b: {  	[tilespmem:s20], [sflag:$0x3] =	stream.indirect.gather [hbm4b:s2+s16], $0x80, s22, s16, $0xb8;
	[tilespmem:$0x15C00] =	vst v63  }
0x4c: {  	s5 =	simm.s32 $0x0;
	s22 =	rddreg [dreg:$0x2]  }
.LBB2_2:
0x4d: {  	_ =	swait.ge [sflag:s21], $0x4000  }
0x4e: {  	s6 =	sadd.s32 s22, s12;
	[sflag:s21] =	ssyncset.done $0x0  }
0x4f: {  	s7 =	sadd.s32 $0x2800, s6;
	[sflag:s21] =	ssyncadd.s32 $0xFFFFC000  }
0x50: {  	[hbm4b:s7+s4] =	stream.linear.scatter [tilespmem:s17], [sflag:$0x6], $0x4000, $0x38;
	[tilespmem:$0x15C00] =	vst v63  }
0x51: {  	_ =	swait.ge [sflag:s25], $0x4000  }
0x52: {  	s7 =	sshra.s32 s5, $0x2;
	[sflag:s25] =	ssyncset.done $0x0  }
0x53: {  	s8 =	sadd.s32 $0x400, s7;
	[sflag:s25] =	ssyncadd.s32 $0xFFFFC000  }
0x54: {  	[tilespmem:s23], [sflag:$0x4] =	stream.indirect.gather [hbm4b:s2+s16], $0x80, s8, s16, $0xb8;
	[tilespmem:$0x15C00] =	vst v63  }
0x55: {  	_ =	swait.ge [sflag:s24], $0x4000  }
0x56: {  	[sflag:s24] =	ssyncset.done $0x0  }
0x57: {  	s10 =	sadd.s32 $0x3000, s6;
	[sflag:s24] =	ssyncadd.s32 $0xFFFFC000  }
0x58: {  	[hbm4b:s10+s4] =	stream.linear.scatter [tilespmem:s18], [sflag:$0x7], $0x4000, $0x38;
	[tilespmem:$0x15C00] =	vst v63  }
0x59: {  	_ =	swait.ge [sflag:s30], $0x4000  }
0x5a: {  	[sflag:s30] =	ssyncset.done $0x0  }
0x5b: {  	s9 =	sadd.s32 $0x480, s7;
	[sflag:s30] =	ssyncadd.s32 $0xFFFFC000  }
0x5c: {  	[tilespmem:s26], [sflag:$0x5] =	stream.indirect.gather [hbm4b:s2+s16], $0x80, s9, s16, $0xb8;
	[tilespmem:$0x15C00] =	vst v63  }
0x5d: {  	_ =	swait.ge [sflag:s28], $0x4000  }
0x5e: {  	[sflag:s28] =	ssyncset.done $0x0  }
0x5f: {  	s6 =	sadd.s32 $0x3800, s6;
	[sflag:s28] =	ssyncadd.s32 $0xFFFFC000  }
0x60: {  	[hbm4b:s6+s4] =	stream.linear.scatter [tilespmem:s20], [sflag:$0x8], $0x4000, $0x38;
	[tilespmem:$0x15C00] =	vst v63  }
0x61: {  	p0 =	seq.s32 s5, $0x5000;
	_ =	swait.ge [sflag:s29], $0x4000  }
0x62: {  	s10 =	simm.s32 @!p0 $0x1C00;
	s6 =	sshra.s32 @!p0 s5, $0x2;
	[sflag:s29] =	ssyncset.done $0x0  }
0x63: {  	s9 =	simm.s32 @!p0 $0x80;
	s8 =	sadd.s32 @!p0 $0x500, s6;
	[sflag:s29] =	ssyncadd.s32 $0xFFFFC000  }
0x64: {  	[tilespmem:s10], [sflag:$0x1] =	stream.indirect.gather @!p0 [hbm4b:s2+s9], $0x80, s8, s9, $0xb8;
	[tilespmem:$0x15C00] =	vst v63  }
0x65: {  	_ =	swait.ge [sflag:s31], $0x4000  }
0x66: {  	[sflag:s31] =	ssyncset.done $0x0  }
0x67: {  	s10 =	sadd.s32 s22, s14;
	[sflag:s31] =	ssyncadd.s32 $0xFFFFC000  }
0x68: {  	[hbm4b:s10+s4] =	stream.linear.scatter [tilespmem:s23], [sflag:$0x9], $0x4000, $0x38;
	[tilespmem:$0x15C00] =	vst v63  }
0x69: {  	_ =	swait.ge [sflag:s1], $0x4000  }
0x6a: {  	[sflag:s1] =	ssyncset.done $0x0  }
0x6b: {  	s6 =	sadd.s32 @!p0 $0x580, s6;
	s8 =	simm.s32 @!p0 $0x5C00;
	[sflag:s1] =	ssyncadd.s32 $0xFFFFC000  }
0x6c: {  	[tilespmem:s8], [sflag:$0x2] =	stream.indirect.gather @!p0 [hbm4b:s2+s9], $0x80, s6, s9, $0xb8;
	[tilespmem:$0x15C00] =	vst v63  }
0x6d: {  	_ =	swait.ge [sflag:s3], $0x4000  }
0x6e: {  	[sflag:s3] =	ssyncset.done $0x0  }
.Ltmp2:
0x6f: {  	s10 =	sadd.s32 s22, s13;
	[sflag:s3] =	ssyncadd.s32 $0xFFFFC000;
	(pc) =	sbr.rel @p0 .LBB2_4-.Ltmp2, $4  }
0x70: {  	[hbm4b:s10+s4] =	stream.linear.scatter [tilespmem:s26], [sflag:$0xA], $0x4000, $0x38;
	[tilespmem:$0x15C00] =	vst v63  }
0x71: {  	_ =	swait.ge [sflag:s19], $0x4000  }
0x72: {  	[sflag:s19] =	ssyncset.done $0x0  }
0x73: {  	[sflag:s19] =	ssyncadd.s32 $0xFFFFC000  }
.Ltmp3:
0x74: {  	(pc) =	sbr.rel .LBB2_2-.Ltmp3, $3  }
0x75: {  	_ =	sdelay $0x1  }
0x76: {  	s6 =	sadd.s32 $0x600, s7;
	s5 =	sadd.s32 $0xA00, s5;
	s22 =	sadd.s32 $0x2800, s22  }
0x77: {  	[tilespmem:s20], [sflag:$0x3] =	stream.indirect.gather [hbm4b:s2+s16], $0x80, s6, s16, $0xb8;
	[tilespmem:$0x15C00] =	vst v63  }
.LBB2_5:
0x78: {  	_ =	sfence.sel $0x180000  }
0x79: {  	[bflag:$0x0] =	sbarrier.arrive $0xFFFF  }
0x7a: {  	_ =	strace $0x90000047  }
0x7b: {  	s0 =	stileid.u32;
	[bflag:$0x2] =	sbarrier.arrive $0xFFFF  }
0x7c: {  	p0 =	sne.s32 s0, $0x0;
	s0 =	rddreg [dreg:$0x3]  }
0x7d: {  	s0 =	sadd.s32 @!p0 $0x100000, s0  }
0x7e: {  	[sflag:s0] =	ssyncadd.tile.s32 @!p0 $0x1;
	_ =	shalt  }
.Lfunc_end2:
_tile_overlayer_lowered:
.L_overlay_start_2:
0x7f: {  	(tag) =	ssettag $0x2  }
0x80: {  	s0 =	rddreg [dreg:$0x0];
	s2 =	stileid.u32  }
0x81: {  	s1 =	rddreg [dreg:$0x1];
	p0 =	sne.s32 s2, $0x0  }
0x82: {  	s3 =	rddreg [dreg:$0x2];
	[bflag:$0x3] =	sbarrier.arrive $0xFFFF;
	s2 =	simm.s32 @!p0 $0x1C0B  }
0x83: {  	[timem:s3], [sflag:s2] =	dma.local @!p0 [hbm:s0], s1  }
0x84: {  	s0 =	simm.s32 @!p0 $0xB  }
0x85: {  	_ =	swait.ge @!p0 [sflag:s0], s1  }
0x86: {  	s1 =	ssub.s32 @!p0 $0x0, s1;
	[sflag:s0] =	ssyncset.done @!p0 $0x0  }
0x87: {  	[sflag:s0] =	ssyncadd.s32 @!p0 s1  }
0x88: {  	[bflag:$0x3] =	sbarrier.arrive $0xFFFF  }
0x89: {  	_ =	shalt  }

</sc_bundles>
